<compile_context>
chip_gen: v7x
topology: tpu7x:2x2x1
jax: 0.10.2.dev20260603
libtpu: 0.0.44.dev20260713+nightly
codegen_flags: <defaults>
</compile_context>

<pallas_src>
import functools

import jax
import jax.numpy as jnp
from jax import lax
from jax.experimental import pallas as pl
from jax.experimental.pallas import tpu as pltpu
from jax.experimental.pallas import tpu_sc as plsc

_ITERS = 10
_TOPK = 4


def _kmeans_topk_kernel(p1_ref, c0_ref, trans_ref, protos_ref, idx_ref):
    n = p1_ref.shape[0]
    k = c0_ref.shape[1]

    p1 = p1_ref[:, :]
    pts = p1[:, 0:3]
    a2 = jnp.sum(pts * pts, axis=1, keepdims=True)

    def dist(cT):
        b2 = jnp.sum(cT * cT, axis=0, keepdims=True)
        ab = lax.dot_general(pts, cT, (((1,), (0,)), ((), ())),
                             preferred_element_type=jnp.float32)
        return jnp.sqrt(jnp.maximum(a2 + b2 - 2.0 * ab, 0.0))

    def step(_, cT):
        d = dist(cT)
        rmin = jnp.min(d, axis=1, keepdims=True)
        il = lax.broadcasted_iota(jnp.int32, (n, k), 1)
        amin = jnp.min(jnp.where(d == rmin, il, k), axis=1, keepdims=True)
        oh = (il == amin).astype(jnp.float32)
        cnt = jnp.sum(oh, axis=0, keepdims=True)
        sx = jnp.sum(oh * p1[:, 0:1], axis=0, keepdims=True)
        sy = jnp.sum(oh * p1[:, 1:2], axis=0, keepdims=True)
        sz = jnp.sum(oh * p1[:, 2:3], axis=0, keepdims=True)
        sums = jnp.concatenate([sx, sy, sz], axis=0)
        return jnp.where(cnt > 0, sums / jnp.maximum(cnt, 1.0), cT)

    cT = lax.fori_loop(0, _ITERS, step, c0_ref[:, :])

    d = dist(cT)

    cmin = jnp.min(d, axis=0, keepdims=True)
    isrc = lax.broadcasted_iota(jnp.int32, (n, k), 0)
    nearest = jnp.min(jnp.where(d == cmin, isrc, n), axis=0, keepdims=True)
    oh_n = (isrc == nearest).astype(jnp.bfloat16)
    protos_ref[:, :] = lax.dot_general(
        oh_n, trans_ref[:, :], (((0,), (0,)), ((), ())),
        preferred_element_type=jnp.float32)

    dt = d[0:k, :]
    il9 = lax.broadcasted_iota(jnp.int32, (k, k), 1)
    for t in range(_TOPK):
        rmin = jnp.min(dt, axis=1, keepdims=True)
        amin = jnp.min(jnp.where(dt == rmin, il9, k), axis=1, keepdims=True)
        idx_ref[:, t:t + 1] = amin
        if t + 1 < _TOPK:
            dt = jnp.where(il9 == amin, jnp.float32(jnp.inf), dt)


def _sc_gather_sum(table, idx_pad, n_out_pad):
    info = plsc.get_sparse_core_info()
    nw = info.num_cores * info.num_subcores
    lanes = info.num_lanes
    depth = table.shape[1]
    bpw = idx_pad.shape[0] // nw
    opw = bpw // _TOPK
    mesh = plsc.VectorSubcoreMesh(core_axis_name="c", subcore_axis_name="s")

    @functools.partial(
        pl.kernel, mesh=mesh,
        out_type=jax.ShapeDtypeStruct((n_out_pad, depth), jnp.float32),
        scratch_types=[
            pltpu.VMEM((bpw,), jnp.int32),
            pltpu.VMEM((bpw, depth), jnp.float32),
            pltpu.VMEM((opw, depth), jnp.float32),
            pltpu.SemaphoreType.DMA,
        ],
    )
    def k(table_hbm, idx_hbm, out_hbm, idx_v, rows_v, acc_v, sem):
        wid = lax.axis_index("s") * info.num_cores + lax.axis_index("c")
        base = wid * bpw
        pltpu.sync_copy(idx_hbm.at[pl.ds(base, bpw)], idx_v)
        pltpu.async_copy(table_hbm.at[idx_v], rows_v, sem).wait()

        def body(o, carry):
            r = o * _TOPK
            for c in range(depth // lanes):
                sl = pl.ds(c * lanes, lanes)
                s = ((rows_v[r, sl] + rows_v[r + 1, sl])
                     + rows_v[r + 2, sl]) + rows_v[r + 3, sl]
                acc_v[o, sl] = s
            return carry

        lax.fori_loop(0, opw, body, 0)
        pltpu.sync_copy(acc_v, out_hbm.at[pl.ds(wid * opw, opw)])

    return k(table, idx_pad)


def kernel(ego_anchor, trans_anchor, ego_feature, instance_feature):
    N, A, D = trans_anchor.shape
    E = instance_feature.shape[-1]
    trans_flat = trans_anchor.reshape(N * A, D)
    pts = trans_flat[:, :3]
    p1 = jnp.concatenate([pts, jnp.ones((N * A, 1), jnp.float32)], axis=1)
    c0T = jnp.transpose(pts[:: (N * A) // A])
    inst0 = instance_feature.reshape(N * A, E)[:A]

    protos, idx = pl.pallas_call(
        _kmeans_topk_kernel,
        out_shape=(jax.ShapeDtypeStruct((A, D), jnp.float32),
                   jax.ShapeDtypeStruct((A, _TOPK), jnp.int32)),
    )(p1, c0T, trans_flat)

    n_out_pad = 1024
    idx_pad = jnp.zeros((n_out_pad * _TOPK,), jnp.int32)
    idx_pad = lax.dynamic_update_slice(idx_pad, idx.reshape(A * _TOPK), (0,))
    fused = _sc_gather_sum(inst0, idx_pad, n_out_pad)[:A]
    return protos, fused

# --- scband reference (transcript-rebuilt; emitter-appended) ---
"""Pipeline reference for scband-kmeansfusion-87995289960536 (READ-ONLY COPY).

The authoritative reference and input builder live on the scoring server;
editing this copy changes nothing except your own understanding.
"""

import jax, jax.numpy as jnp
import numpy as np


def _cdist(a, b):
    a2 = jnp.sum(a * a, axis=1)[:, None]
    b2 = jnp.sum(b * b, axis=1)[None, :]
    ab = a @ b.T
    return jnp.sqrt(jnp.maximum(a2 + b2 - 2.0 * ab, 0.0))


def _kmeans(points, k, iters=10):
    # Deterministic Lloyd's k-means standing in for sklearn KMeans(random_state=0).
    n = points.shape[0]
    init_idx = (jnp.arange(k) * (n // k)).astype(jnp.int32)
    centers0 = points[init_idx]

    def step(centers, _):
        d = _cdist(points, centers)
        assign = jnp.argmin(d, axis=1)
        sums = jax.ops.segment_sum(points, assign, num_segments=k)
        counts = jax.ops.segment_sum(jnp.ones((n,), points.dtype), assign, num_segments=k)
        new = jnp.where(counts[:, None] > 0, sums / jnp.maximum(counts, 1.0)[:, None], centers)
        return new, None

    centers, _ = jax.lax.scan(step, centers0, None, length=iters)
    return centers


def setup_inputs(seed: int = 0) -> dict:
    key = jax.random.key(seed)
    k1, k2, k3, k4 = jax.random.split(key, 4)
    N, A, D, E = 4, 900, 11, 256
    return {
        "ego_anchor": jax.random.normal(k1, (N, A, D), dtype=jnp.float32),
        "trans_anchor": jax.random.normal(k2, (N, A, D), dtype=jnp.float32),
        "ego_feature": jax.random.normal(k3, (N, A, E), dtype=jnp.float32),
        "instance_feature": jax.random.normal(k4, (N, A, E), dtype=jnp.float32),
    }


def reference(ego_anchor, trans_anchor, ego_feature, instance_feature):
    N, anchor_num, anchor_dim = trans_anchor.shape
    trans_flat = trans_anchor.reshape(N * anchor_num, -1)
    inst_flat = instance_feature.reshape(N * anchor_num, -1)

    # kmeans runs on detached coordinates (torch: .detach().cpu().numpy())
    pts = jax.lax.stop_gradient(trans_flat[:, :3])
    prototypes = _kmeans(pts, anchor_num)

    distances = _cdist(trans_flat[:, :3], prototypes)  # [N*A, A]
    nearest_indices = jnp.argmin(distances, axis=0)     # [A]
    prototypes_full = trans_flat[nearest_indices]       # [A, anchor_dim]

    # torch.topk(distances, N, largest=False) along last dim
    _, idx = jax.lax.top_k(-distances, N)               # [N*A, N]
    idx_rows = idx[:anchor_num]                          # first anchor_num rows used in the loop
    gathered = inst_flat[idx_rows]                       # [A, N, 256]
    fused_features = gathered.sum(axis=1)                # [A, 256]

    return (prototypes_full, fused_features)

if __name__ == "__main__":
    import jax
    _d = setup_inputs()
    print(jax.jit(kernel)(*tuple(_d.values())))

</pallas_src>

<mosaic_0001>
#map = affine_map<(d0, d1) -> (0, 0)>
#map1 = affine_map<(d0, d1) -> (0)>
module attributes {stable_mosaic.version = 14 : i64} {
  func.func @k(%arg0: i32, %arg1: i32, %arg2: memref<900x256xf32, #tpu.memory_space<hbm>>, %arg3: memref<4096xi32, #tpu.memory_space<hbm>>, %arg4: memref<1024x256xf32, #tpu.memory_space<hbm>>, %arg5: memref<128xi32, #tpu.memory_space<vmem>>, %arg6: memref<128x256xf32, #tpu.memory_space<vmem>>, %arg7: memref<32x256xf32, #tpu.memory_space<vmem>>, %arg8: memref<!tpu.dma_semaphore, #tpu.memory_space<semaphore_mem>>) attributes {dimension_semantics = [#tpu.dimension_semantics<core_parallel>, #tpu.dimension_semantics<subcore_parallel>], iteration_bounds = array<i64: 2, 16>, scalar_prefetch = 0 : i64, scratch_operands = 4 : i64, tpu.core_type = #tpu.core_type<sc_vector_subcore>, window_params = [{transform_indices = #map}, {transform_indices = #map1}, {transform_indices = #map}]} {
    %mul3A = arith.constant 2 : i32
    %mul3A_0 = arith.muli %arg1, %mul3A : i32
    %add3A = arith.addi %mul3A_0, %arg0 : i32
    %mul3A_1 = arith.constant 128 : i32
    %mul3A_2 = arith.muli %add3A, %mul3A_1 : i32
    "tpu.region"() ({
      %run_scoped3A = tpu.sem_alloc : memref<!tpu.dma_semaphore, #tpu.memory_space<semaphore_mem>>
      %dma_start3A_14 = tpu.memref_slice %arg3[%mul3A_2] : memref<4096xi32, #tpu.memory_space<hbm>> -> memref<128xi32, #tpu.memory_space<hbm>>
      %dma_start3A_15 = tpu.memref_slice %arg3[%mul3A_2] : memref<4096xi32, #tpu.memory_space<hbm>> -> memref<128xi32, #tpu.memory_space<hbm>>
      tpu.enqueue_dma source(%dma_start3A_15 : memref<128xi32, #tpu.memory_space<hbm>>) target(%arg5 : memref<128xi32, #tpu.memory_space<vmem>>) target_semaphore(%run_scoped3A : memref<!tpu.dma_semaphore, #tpu.memory_space<semaphore_mem>>)
      %dma_wait3A_16 = tpu.memref_slice %arg3[%mul3A_2] : memref<4096xi32, #tpu.memory_space<hbm>> -> memref<128xi32, #tpu.memory_space<hbm>>
      %dma_wait3A_17 = tpu.memref_slice %arg3[%mul3A_2] : memref<4096xi32, #tpu.memory_space<hbm>> -> memref<128xi32, #tpu.memory_space<hbm>>
      tpu.wait_dma2 semaphore(%run_scoped3A : memref<!tpu.dma_semaphore, #tpu.memory_space<semaphore_mem>>) src(%dma_wait3A_17 : memref<128xi32, #tpu.memory_space<hbm>>) dst(%arg5 : memref<128xi32, #tpu.memory_space<vmem>>)
      tpu.yield
    }) : () -> ()
    %dma_start3A = arith.constant 0 : i32
    %dma_start3A_3 = arith.constant 0 : i32
    %dma_start3A_4 = tpu.memref_slice %arg2[%dma_start3A, %dma_start3A_3] : memref<900x256xf32, #tpu.memory_space<hbm>> -> memref<900x256xf32, #tpu.memory_space<hbm>>
    tpu.enqueue_indirect_dma source(%dma_start3A_4 : memref<900x256xf32, #tpu.memory_space<hbm>>) target(%arg6 : memref<128x256xf32, #tpu.memory_space<vmem>>) offsets(%arg5 : memref<128xi32, #tpu.memory_space<vmem>>) semaphore(%arg8 : memref<!tpu.dma_semaphore, #tpu.memory_space<semaphore_mem>>)
    %dma_wait3A = arith.constant 0 : i32
    %dma_wait3A_5 = arith.constant 0 : i32
    %dma_wait3A_6 = tpu.memref_slice %arg2[%dma_wait3A, %dma_wait3A_5] : memref<900x256xf32, #tpu.memory_space<hbm>> -> memref<900x256xf32, #tpu.memory_space<hbm>>
    tpu.wait_indirect_dma semaphore(%arg8 : memref<!tpu.dma_semaphore, #tpu.memory_space<semaphore_mem>>) src(%dma_wait3A_6 : memref<900x256xf32, #tpu.memory_space<hbm>>) dst(%arg6 : memref<128x256xf32, #tpu.memory_space<vmem>>)
    %scan3A = arith.constant 0 : i32
    %scan3A_7 = arith.constant 0 : i32
    %scan3A_8 = arith.constant 32 : i32
    %scan3A_9 = arith.addi %scan3A_7, %scan3A_8 : i32
    %scan3A_10 = arith.constant 1 : i32
    scf.for %scan3A_14 = %scan3A_7 to %scan3A_9 step %scan3A_10  : i32 {
      %mul3A_15 = arith.constant 4 : i32
      %mul3A_16 = arith.muli %scan3A_14, %mul3A_15 : i32
      %get3A = arith.index_cast %mul3A_16 : i32 to index
      %get3A_17 = arith.constant 0 : index
      %get3A_18 = tpu.vector_load %arg6[%get3A, %get3A_17] {strides = array<i32>} : memref<128x256xf32, #tpu.memory_space<vmem>>, vector<1x16xf32>,
      %get3A_19 = vector.shape_cast %get3A_18 : vector<1x16xf32> to vector<16xf32>
      %add3A_20 = arith.constant 1 : i32
      %add3A_21 = arith.addi %mul3A_16, %add3A_20 : i32
      %get3A_22 = arith.index_cast %add3A_21 : i32 to index
      %get3A_23 = arith.constant 0 : index
      %get3A_24 = tpu.vector_load %arg6[%get3A_22, %get3A_23] {strides = array<i32>} : memref<128x256xf32, #tpu.memory_space<vmem>>, vector<1x16xf32>,
      %get3A_25 = vector.shape_cast %get3A_24 : vector<1x16xf32> to vector<16xf32>
      %add3A_26 = arith.addf %get3A_19, %get3A_25 : vector<16xf32>
      %add3A_27 = arith.constant 2 : i32
      %add3A_28 = arith.addi %mul3A_16, %add3A_27 : i32
      %get3A_29 = arith.index_cast %add3A_28 : i32 to index
      %get3A_30 = arith.constant 0 : index
      %get3A_31 = tpu.vector_load %arg6[%get3A_29, %get3A_30] {strides = array<i32>} : memref<128x256xf32, #tpu.memory_space<vmem>>, vector<1x16xf32>,
      %get3A_32 = vector.shape_cast %get3A_31 : vector<1x16xf32> to vector<16xf32>
      %add3A_33 = arith.addf %add3A_26, %get3A_32 : vector<16xf32>
      %add3A_34 = arith.constant 3 : i32
      %add3A_35 = arith.addi %mul3A_16, %add3A_34 : i32
      %get3A_36 = arith.index_cast %add3A_35 : i32 to index
      %get3A_37 = arith.constant 0 : index
      %get3A_38 = tpu.vector_load %arg6[%get3A_36, %get3A_37] {strides = array<i32>} : memref<128x256xf32, #tpu.memory_space<vmem>>, vector<1x16xf32>,
      %get3A_39 = vector.shape_cast %get3A_38 : vector<1x16xf32> to vector<16xf32>
      %add3A_40 = arith.addf %add3A_33, %get3A_39 : vector<16xf32>
      %swap3A = arith.index_cast %scan3A_14 : i32 to index
      %swap3A_41 = arith.constant 0 : index
      %swap3A_42 = tpu.vector_load %arg7[%swap3A, %swap3A_41] {strides = array<i32>} : memref<32x256xf32, #tpu.memory_space<vmem>>, vector<1x16xf32>,
      %swap3A_43 = vector.shape_cast %swap3A_42 : vector<1x16xf32> to vector<16xf32>
      %swap3A_44 = vector.shape_cast %add3A_40 : vector<16xf32> to vector<1x16xf32>
      tpu.vector_store %arg7[%swap3A, %swap3A_41], %swap3A_44 {strides = array<i32>} : memref<32x256xf32, #tpu.memory_space<vmem>>, vector<1x16xf32>,
      %get3A_45 = arith.index_cast %mul3A_16 : i32 to index
      %get3A_46 = arith.constant 16 : index
      %get3A_47 = tpu.vector_load %arg6[%get3A_45, %get3A_46] {strides = array<i32>} : memref<128x256xf32, #tpu.memory_space<vmem>>, vector<1x16xf32>,
      %get3A_48 = vector.shape_cast %get3A_47 : vector<1x16xf32> to vector<16xf32>
      %add3A_49 = arith.constant 1 : i32
      %add3A_50 = arith.addi %mul3A_16, %add3A_49 : i32
      %get3A_51 = arith.index_cast %add3A_50 : i32 to index
      %get3A_52 = arith.constant 16 : index
      %get3A_53 = tpu.vector_load %arg6[%get3A_51, %get3A_52] {strides = array<i32>} : memref<128x256xf32, #tpu.memory_space<vmem>>, vector<1x16xf32>,
      %get3A_54 = vector.shape_cast %get3A_53 : vector<1x16xf32> to vector<16xf32>
      %add3A_55 = arith.addf %get3A_48, %get3A_54 : vector<16xf32>
      %add3A_56 = arith.constant 2 : i32
      %add3A_57 = arith.addi %mul3A_16, %add3A_56 : i32
      %get3A_58 = arith.index_cast %add3A_57 : i32 to index
      %get3A_59 = arith.constant 16 : index
      %get3A_60 = tpu.vector_load %arg6[%get3A_58, %get3A_59] {strides = array<i32>} : memref<128x256xf32, #tpu.memory_space<vmem>>, vector<1x16xf32>,
      %get3A_61 = vector.shape_cast %get3A_60 : vector<1x16xf32> to vector<16xf32>
      %add3A_62 = arith.addf %add3A_55, %get3A_61 : vector<16xf32>
      %add3A_63 = arith.constant 3 : i32
      %add3A_64 = arith.addi %mul3A_16, %add3A_63 : i32
      %get3A_65 = arith.index_cast %add3A_64 : i32 to index
      %get3A_66 = arith.constant 16 : index
      %get3A_67 = tpu.vector_load %arg6[%get3A_65, %get3A_66] {strides = array<i32>} : memref<128x256xf32, #tpu.memory_space<vmem>>, vector<1x16xf32>,
      %get3A_68 = vector.shape_cast %get3A_67 : vector<1x16xf32> to vector<16xf32>
      %add3A_69 = arith.addf %add3A_62, %get3A_68 : vector<16xf32>
      %swap3A_70 = arith.index_cast %scan3A_14 : i32 to index
      %swap3A_71 = arith.constant 16 : index
      %swap3A_72 = tpu.vector_load %arg7[%swap3A_70, %swap3A_71] {strides = array<i32>} : memref<32x256xf32, #tpu.memory_space<vmem>>, vector<1x16xf32>,
      %swap3A_73 = vector.shape_cast %swap3A_72 : vector<1x16xf32> to vector<16xf32>
      %swap3A_74 = vector.shape_cast %add3A_69 : vector<16xf32> to vector<1x16xf32>
      tpu.vector_store %arg7[%swap3A_70, %swap3A_71], %swap3A_74 {strides = array<i32>} : memref<32x256xf32, #tpu.memory_space<vmem>>, vector<1x16xf32>,
      %get3A_75 = arith.index_cast %mul3A_16 : i32 to index
      %get3A_76 = arith.constant 32 : index
      %get3A_77 = tpu.vector_load %arg6[%get3A_75, %get3A_76] {strides = array<i32>} : memref<128x256xf32, #tpu.memory_space<vmem>>, vector<1x16xf32>,
      %get3A_78 = vector.shape_cast %get3A_77 : vector<1x16xf32> to vector<16xf32>
      %add3A_79 = arith.constant 1 : i32
      %add3A_80 = arith.addi %mul3A_16, %add3A_79 : i32
      %get3A_81 = arith.index_cast %add3A_80 : i32 to index
      %get3A_82 = arith.constant 32 : index
      %get3A_83 = tpu.vector_load %arg6[%get3A_81, %get3A_82] {strides = array<i32>} : memref<128x256xf32, #tpu.memory_space<vmem>>, vector<1x16xf32>,
      %get3A_84 = vector.shape_cast %get3A_83 : vector<1x16xf32> to vector<16xf32>
      %add3A_85 = arith.addf %get3A_78, %get3A_84 : vector<16xf32>
      %add3A_86 = arith.constant 2 : i32
      %add3A_87 = arith.addi %mul3A_16, %add3A_86 : i32
      %get3A_88 = arith.index_cast %add3A_87 : i32 to index
      %get3A_89 = arith.constant 32 : index
      %get3A_90 = tpu.vector_load %arg6[%get3A_88, %get3A_89] {strides = array<i32>} : memref<128x256xf32, #tpu.memory_space<vmem>>, vector<1x16xf32>,
      %get3A_91 = vector.shape_cast %get3A_90 : vector<1x16xf32> to vector<16xf32>
      %add3A_92 = arith.addf %add3A_85, %get3A_91 : vector<16xf32>
      %add3A_93 = arith.constant 3 : i32
      %add3A_94 = arith.addi %mul3A_16, %add3A_93 : i32
      %get3A_95 = arith.index_cast %add3A_94 : i32 to index
      %get3A_96 = arith.constant 32 : index
      %get3A_97 = tpu.vector_load %arg6[%get3A_95, %get3A_96] {strides = array<i32>} : memref<128x256xf32, #tpu.memory_space<vmem>>, vector<1x16xf32>,
      %get3A_98 = vector.shape_cast %get3A_97 : vector<1x16xf32> to vector<16xf32>
      %add3A_99 = arith.addf %add3A_92, %get3A_98 : vector<16xf32>
      %swap3A_100 = arith.index_cast %scan3A_14 : i32 to index
      %swap3A_101 = arith.constant 32 : index
      %swap3A_102 = tpu.vector_load %arg7[%swap3A_100, %swap3A_101] {strides = array<i32>} : memref<32x256xf32, #tpu.memory_space<vmem>>, vector<1x16xf32>,
      %swap3A_103 = vector.shape_cast %swap3A_102 : vector<1x16xf32> to vector<16xf32>
      %swap3A_104 = vector.shape_cast %add3A_99 : vector<16xf32> to vector<1x16xf32>
      tpu.vector_store %arg7[%swap3A_100, %swap3A_101], %swap3A_104 {strides = array<i32>} : memref<32x256xf32, #tpu.memory_space<vmem>>, vector<1x16xf32>,
      %get3A_105 = arith.index_cast %mul3A_16 : i32 to index
      %get3A_106 = arith.constant 48 : index
      %get3A_107 = tpu.vector_load %arg6[%get3A_105, %get3A_106] {strides = array<i32>} : memref<128x256xf32, #tpu.memory_space<vmem>>, vector<1x16xf32>,
      %get3A_108 = vector.shape_cast %get3A_107 : vector<1x16xf32> to vector<16xf32>
      %add3A_109 = arith.constant 1 : i32
      %add3A_110 = arith.addi %mul3A_16, %add3A_109 : i32
      %get3A_111 = arith.index_cast %add3A_110 : i32 to index
      %get3A_112 = arith.constant 48 : index
      %get3A_113 = tpu.vector_load %arg6[%get3A_111, %get3A_112] {strides = array<i32>} : memref<128x256xf32, #tpu.memory_space<vmem>>, vector<1x16xf32>,
      %get3A_114 = vector.shape_cast %get3A_113 : vector<1x16xf32> to vector<16xf32>
      %add3A_115 = arith.addf %get3A_108, %get3A_114 : vector<16xf32>
      %add3A_116 = arith.constant 2 : i32
      %add3A_117 = arith.addi %mul3A_16, %add3A_116 : i32
      %get3A_118 = arith.index_cast %add3A_117 : i32 to index
      %get3A_119 = arith.constant 48 : index
      %get3A_120 = tpu.vector_load %arg6[%get3A_118, %get3A_119] {strides = array<i32>} : memref<128x256xf32, #tpu.memory_space<vmem>>, vector<1x16xf32>,
      %get3A_121 = vector.shape_cast %get3A_120 : vector<1x16xf32> to vector<16xf32>
      %add3A_122 = arith.addf %add3A_115, %get3A_121 : vector<16xf32>
      %add3A_123 = arith.constant 3 : i32
      %add3A_124 = arith.addi %mul3A_16, %add3A_123 : i32
      %get3A_125 = arith.index_cast %add3A_124 : i32 to index
      %get3A_126 = arith.constant 48 : index
      %get3A_127 = tpu.vector_load %arg6[%get3A_125, %get3A_126] {strides = array<i32>} : memref<128x256xf32, #tpu.memory_space<vmem>>, vector<1x16xf32>,
      %get3A_128 = vector.shape_cast %get3A_127 : vector<1x16xf32> to vector<16xf32>
      %add3A_129 = arith.addf %add3A_122, %get3A_128 : vector<16xf32>
      %swap3A_130 = arith.index_cast %scan3A_14 : i32 to index
      %swap3A_131 = arith.constant 48 : index
      %swap3A_132 = tpu.vector_load %arg7[%swap3A_130, %swap3A_131] {strides = array<i32>} : memref<32x256xf32, #tpu.memory_space<vmem>>, vector<1x16xf32>,
      %swap3A_133 = vector.shape_cast %swap3A_132 : vector<1x16xf32> to vector<16xf32>
      %swap3A_134 = vector.shape_cast %add3A_129 : vector<16xf32> to vector<1x16xf32>
      tpu.vector_store %arg7[%swap3A_130, %swap3A_131], %swap3A_134 {strides = array<i32>} : memref<32x256xf32, #tpu.memory_space<vmem>>, vector<1x16xf32>,
      %get3A_135 = arith.index_cast %mul3A_16 : i32 to index
      %get3A_136 = arith.constant 64 : index
      %get3A_137 = tpu.vector_load %arg6[%get3A_135, %get3A_136] {strides = array<i32>} : memref<128x256xf32, #tpu.memory_space<vmem>>, vector<1x16xf32>,
      %get3A_138 = vector.shape_cast %get3A_137 : vector<1x16xf32> to vector<16xf32>
      %add3A_139 = arith.constant 1 : i32
      %add3A_140 = arith.addi %mul3A_16, %add3A_139 : i32
      %get3A_141 = arith.index_cast %add3A_140 : i32 to index
      %get3A_142 = arith.constant 64 : index
      %get3A_143 = tpu.vector_load %arg6[%get3A_141, %get3A_142] {strides = array<i32>} : memref<128x256xf32, #tpu.memory_space<vmem>>, vector<1x16xf32>,
      %get3A_144 = vector.shape_cast %get3A_143 : vector<1x16xf32> to vector<16xf32>
      %add3A_145 = arith.addf %get3A_138, %get3A_144 : vector<16xf32>
      %add3A_146 = arith.constant 2 : i32
      %add3A_147 = arith.addi %mul3A_16, %add3A_146 : i32
      %get3A_148 = arith.index_cast %add3A_147 : i32 to index
      %get3A_149 = arith.constant 64 : index
      %get3A_150 = tpu.vector_load %arg6[%get3A_148, %get3A_149] {strides = array<i32>} : memref<128x256xf32, #tpu.memory_space<vmem>>, vector<1x16xf32>,
      %get3A_151 = vector.shape_cast %get3A_150 : vector<1x16xf32> to vector<16xf32>
      %add3A_152 = arith.addf %add3A_145, %get3A_151 : vector<16xf32>
      %add3A_153 = arith.constant 3 : i32
      %add3A_154 = arith.addi %mul3A_16, %add3A_153 : i32
      %get3A_155 = arith.index_cast %add3A_154 : i32 to index
      %get3A_156 = arith.constant 64 : index
      %get3A_157 = tpu.vector_load %arg6[%get3A_155, %get3A_156] {strides = array<i32>} : memref<128x256xf32, #tpu.memory_space<vmem>>, vector<1x16xf32>,
      %get3A_158 = vector.shape_cast %get3A_157 : vector<1x16xf32> to vector<16xf32>
      %add3A_159 = arith.addf %add3A_152, %get3A_158 : vector<16xf32>
      %swap3A_160 = arith.index_cast %scan3A_14 : i32 to index
      %swap3A_161 = arith.constant 64 : index
      %swap3A_162 = tpu.vector_load %arg7[%swap3A_160, %swap3A_161] {strides = array<i32>} : memref<32x256xf32, #tpu.memory_space<vmem>>, vector<1x16xf32>,
      %swap3A_163 = vector.shape_cast %swap3A_162 : vector<1x16xf32> to vector<16xf32>
      %swap3A_164 = vector.shape_cast %add3A_159 : vector<16xf32> to vector<1x16xf32>
      tpu.vector_store %arg7[%swap3A_160, %swap3A_161], %swap3A_164 {strides = array<i32>} : memref<32x256xf32, #tpu.memory_space<vmem>>, vector<1x16xf32>,
      %get3A_165 = arith.index_cast %mul3A_16 : i32 to index
      %get3A_166 = arith.constant 80 : index
      %get3A_167 = tpu.vector_load %arg6[%get3A_165, %get3A_166] {strides = array<i32>} : memref<128x256xf32, #tpu.memory_space<vmem>>, vector<1x16xf32>,
      %get3A_168 = vector.shape_cast %get3A_167 : vector<1x16xf32> to vector<16xf32>
      %add3A_169 = arith.constant 1 : i32
      %add3A_170 = arith.addi %mul3A_16, %add3A_169 : i32
      %get3A_171 = arith.index_cast %add3A_170 : i32 to index
      %get3A_172 = arith.constant 80 : index
      %get3A_173 = tpu.vector_load %arg6[%get3A_171, %get3A_172] {strides = array<i32>} : memref<128x256xf32, #tpu.memory_space<vmem>>, vector<1x16xf32>,
      %get3A_174 = vector.shape_cast %get3A_173 : vector<1x16xf32> to vector<16xf32>
      %add3A_175 = arith.addf %get3A_168, %get3A_174 : vector<16xf32>
      %add3A_176 = arith.constant 2 : i32
      %add3A_177 = arith.addi %mul3A_16, %add3A_176 : i32
      %get3A_178 = arith.index_cast %add3A_177 : i32 to index
      %get3A_179 = arith.constant 80 : index
      %get3A_180 = tpu.vector_load %arg6[%get3A_178, %get3A_179] {strides = array<i32>} : memref<128x256xf32, #tpu.memory_space<vmem>>, vector<1x16xf32>,
      %get3A_181 = vector.shape_cast %get3A_180 : vector<1x16xf32> to vector<16xf32>
      %add3A_182 = arith.addf %add3A_175, %get3A_181 : vector<16xf32>
      %add3A_183 = arith.constant 3 : i32
      %add3A_184 = arith.addi %mul3A_16, %add3A_183 : i32
      %get3A_185 = arith.index_cast %add3A_184 : i32 to index
      %get3A_186 = arith.constant 80 : index
      %get3A_187 = tpu.vector_load %arg6[%get3A_185, %get3A_186] {strides = array<i32>} : memref<128x256xf32, #tpu.memory_space<vmem>>, vector<1x16xf32>,
      %get3A_188 = vector.shape_cast %get3A_187 : vector<1x16xf32> to vector<16xf32>
      %add3A_189 = arith.addf %add3A_182, %get3A_188 : vector<16xf32>
      %swap3A_190 = arith.index_cast %scan3A_14 : i32 to index
      %swap3A_191 = arith.constant 80 : index
      %swap3A_192 = tpu.vector_load %arg7[%swap3A_190, %swap3A_191] {strides = array<i32>} : memref<32x256xf32, #tpu.memory_space<vmem>>, vector<1x16xf32>,
      %swap3A_193 = vector.shape_cast %swap3A_192 : vector<1x16xf32> to vector<16xf32>
      %swap3A_194 = vector.shape_cast %add3A_189 : vector<16xf32> to vector<1x16xf32>
      tpu.vector_store %arg7[%swap3A_190, %swap3A_191], %swap3A_194 {strides = array<i32>} : memref<32x256xf32, #tpu.memory_space<vmem>>, vector<1x16xf32>,
      %get3A_195 = arith.index_cast %mul3A_16 : i32 to index
      %get3A_196 = arith.constant 96 : index
      %get3A_197 = tpu.vector_load %arg6[%get3A_195, %get3A_196] {strides = array<i32>} : memref<128x256xf32, #tpu.memory_space<vmem>>, vector<1x16xf32>,
      %get3A_198 = vector.shape_cast %get3A_197 : vector<1x16xf32> to vector<16xf32>
      %add3A_199 = arith.constant 1 : i32
      %add3A_200 = arith.addi %mul3A_16, %add3A_199 : i32
      %get3A_201 = arith.index_cast %add3A_200 : i32 to index
      %get3A_202 = arith.constant 96 : index
      %get3A_203 = tpu.vector_load %arg6[%get3A_201, %get3A_202] {strides = array<i32>} : memref<128x256xf32, #tpu.memory_space<vmem>>, vector<1x16xf32>,
      %get3A_204 = vector.shape_cast %get3A_203 : vector<1x16xf32> to vector<16xf32>
      %add3A_205 = arith.addf %get3A_198, %get3A_204 : vector<16xf32>
      %add3A_206 = arith.constant 2 : i32
      %add3A_207 = arith.addi %mul3A_16, %add3A_206 : i32
      %get3A_208 = arith.index_cast %add3A_207 : i32 to index
      %get3A_209 = arith.constant 96 : index
      %get3A_210 = tpu.vector_load %arg6[%get3A_208, %get3A_209] {strides = array<i32>} : memref<128x256xf32, #tpu.memory_space<vmem>>, vector<1x16xf32>,
      %get3A_211 = vector.shape_cast %get3A_210 : vector<1x16xf32> to vector<16xf32>
      %add3A_212 = arith.addf %add3A_205, %get3A_211 : vector<16xf32>
      %add3A_213 = arith.constant 3 : i32
      %add3A_214 = arith.addi %mul3A_16, %add3A_213 : i32
      %get3A_215 = arith.index_cast %add3A_214 : i32 to index
      %get3A_216 = arith.constant 96 : index
      %get3A_217 = tpu.vector_load %arg6[%get3A_215, %get3A_216] {strides = array<i32>} : memref<128x256xf32, #tpu.memory_space<vmem>>, vector<1x16xf32>,
      %get3A_218 = vector.shape_cast %get3A_217 : vector<1x16xf32> to vector<16xf32>
      %add3A_219 = arith.addf %add3A_212, %get3A_218 : vector<16xf32>
      %swap3A_220 = arith.index_cast %scan3A_14 : i32 to index
      %swap3A_221 = arith.constant 96 : index
      %swap3A_222 = tpu.vector_load %arg7[%swap3A_220, %swap3A_221] {strides = array<i32>} : memref<32x256xf32, #tpu.memory_space<vmem>>, vector<1x16xf32>,
      %swap3A_223 = vector.shape_cast %swap3A_222 : vector<1x16xf32> to vector<16xf32>
      %swap3A_224 = vector.shape_cast %add3A_219 : vector<16xf32> to vector<1x16xf32>
      tpu.vector_store %arg7[%swap3A_220, %swap3A_221], %swap3A_224 {strides = array<i32>} : memref<32x256xf32, #tpu.memory_space<vmem>>, vector<1x16xf32>,
      %get3A_225 = arith.index_cast %mul3A_16 : i32 to index
      %get3A_226 = arith.constant 112 : index
      %get3A_227 = tpu.vector_load %arg6[%get3A_225, %get3A_226] {strides = array<i32>} : memref<128x256xf32, #tpu.memory_space<vmem>>, vector<1x16xf32>,
      %get3A_228 = vector.shape_cast %get3A_227 : vector<1x16xf32> to vector<16xf32>
      %add3A_229 = arith.constant 1 : i32
      %add3A_230 = arith.addi %mul3A_16, %add3A_229 : i32
      %get3A_231 = arith.index_cast %add3A_230 : i32 to index
      %get3A_232 = arith.constant 112 : index
      %get3A_233 = tpu.vector_load %arg6[%get3A_231, %get3A_232] {strides = array<i32>} : memref<128x256xf32, #tpu.memory_space<vmem>>, vector<1x16xf32>,
      %get3A_234 = vector.shape_cast %get3A_233 : vector<1x16xf32> to vector<16xf32>
      %add3A_235 = arith.addf %get3A_228, %get3A_234 : vector<16xf32>
      %add3A_236 = arith.constant 2 : i32
      %add3A_237 = arith.addi %mul3A_16, %add3A_236 : i32
      %get3A_238 = arith.index_cast %add3A_237 : i32 to index
      %get3A_239 = arith.constant 112 : index
      %get3A_240 = tpu.vector_load %arg6[%get3A_238, %get3A_239] {strides = array<i32>} : memref<128x256xf32, #tpu.memory_space<vmem>>, vector<1x16xf32>,
      %get3A_241 = vector.shape_cast %get3A_240 : vector<1x16xf32> to vector<16xf32>
      %add3A_242 = arith.addf %add3A_235, %get3A_241 : vector<16xf32>
      %add3A_243 = arith.constant 3 : i32
      %add3A_244 = arith.addi %mul3A_16, %add3A_243 : i32
      %get3A_245 = arith.index_cast %add3A_244 : i32 to index
      %get3A_246 = arith.constant 112 : index
      %get3A_247 = tpu.vector_load %arg6[%get3A_245, %get3A_246] {strides = array<i32>} : memref<128x256xf32, #tpu.memory_space<vmem>>, vector<1x16xf32>,
      %get3A_248 = vector.shape_cast %get3A_247 : vector<1x16xf32> to vector<16xf32>
      %add3A_249 = arith.addf %add3A_242, %get3A_248 : vector<16xf32>
      %swap3A_250 = arith.index_cast %scan3A_14 : i32 to index
      %swap3A_251 = arith.constant 112 : index
      %swap3A_252 = tpu.vector_load %arg7[%swap3A_250, %swap3A_251] {strides = array<i32>} : memref<32x256xf32, #tpu.memory_space<vmem>>, vector<1x16xf32>,
      %swap3A_253 = vector.shape_cast %swap3A_252 : vector<1x16xf32> to vector<16xf32>
      %swap3A_254 = vector.shape_cast %add3A_249 : vector<16xf32> to vector<1x16xf32>
      tpu.vector_store %arg7[%swap3A_250, %swap3A_251], %swap3A_254 {strides = array<i32>} : memref<32x256xf32, #tpu.memory_space<vmem>>, vector<1x16xf32>,
      %get3A_255 = arith.index_cast %mul3A_16 : i32 to index
      %get3A_256 = arith.constant 128 : index
      %get3A_257 = tpu.vector_load %arg6[%get3A_255, %get3A_256] {strides = array<i32>} : memref<128x256xf32, #tpu.memory_space<vmem>>, vector<1x16xf32>,
      %get3A_258 = vector.shape_cast %get3A_257 : vector<1x16xf32> to vector<16xf32>
      %add3A_259 = arith.constant 1 : i32
      %add3A_260 = arith.addi %mul3A_16, %add3A_259 : i32
      %get3A_261 = arith.index_cast %add3A_260 : i32 to index
      %get3A_262 = arith.constant 128 : index
      %get3A_263 = tpu.vector_load %arg6[%get3A_261, %get3A_262] {strides = array<i32>} : memref<128x256xf32, #tpu.memory_space<vmem>>, vector<1x16xf32>,
      %get3A_264 = vector.shape_cast %get3A_263 : vector<1x16xf32> to vector<16xf32>
      %add3A_265 = arith.addf %get3A_258, %get3A_264 : vector<16xf32>
      %add3A_266 = arith.constant 2 : i32
      %add3A_267 = arith.addi %mul3A_16, %add3A_266 : i32
      %get3A_268 = arith.index_cast %add3A_267 : i32 to index
      %get3A_269 = arith.constant 128 : index
      %get3A_270 = tpu.vector_load %arg6[%get3A_268, %get3A_269] {strides = array<i32>} : memref<128x256xf32, #tpu.memory_space<vmem>>, vector<1x16xf32>,
      %get3A_271 = vector.shape_cast %get3A_270 : vector<1x16xf32> to vector<16xf32>
      %add3A_272 = arith.addf %add3A_265, %get3A_271 : vector<16xf32>
      %add3A_273 = arith.constant 3 : i32
      %add3A_274 = arith.addi %mul3A_16, %add3A_273 : i32
      %get3A_275 = arith.index_cast %add3A_274 : i32 to index
      %get3A_276 = arith.constant 128 : index
      %get3A_277 = tpu.vector_load %arg6[%get3A_275, %get3A_276] {strides = array<i32>} : memref<128x256xf32, #tpu.memory_space<vmem>>, vector<1x16xf32>,
      %get3A_278 = vector.shape_cast %get3A_277 : vector<1x16xf32> to vector<16xf32>
      %add3A_279 = arith.addf %add3A_272, %get3A_278 : vector<16xf32>
      %swap3A_280 = arith.index_cast %scan3A_14 : i32 to index
      %swap3A_281 = arith.constant 128 : index
      %swap3A_282 = tpu.vector_load %arg7[%swap3A_280, %swap3A_281] {strides = array<i32>} : memref<32x256xf32, #tpu.memory_space<vmem>>, vector<1x16xf32>,
      %swap3A_283 = vector.shape_cast %swap3A_282 : vector<1x16xf32> to vector<16xf32>
      %swap3A_284 = vector.shape_cast %add3A_279 : vector<16xf32> to vector<1x16xf32>
      tpu.vector_store %arg7[%swap3A_280, %swap3A_281], %swap3A_284 {strides = array<i32>} : memref<32x256xf32, #tpu.memory_space<vmem>>, vector<1x16xf32>,
      %get3A_285 = arith.index_cast %mul3A_16 : i32 to index
      %get3A_286 = arith.constant 144 : index
      %get3A_287 = tpu.vector_load %arg6[%get3A_285, %get3A_286] {strides = array<i32>} : memref<128x256xf32, #tpu.memory_space<vmem>>, vector<1x16xf32>,
      %get3A_288 = vector.shape_cast %get3A_287 : vector<1x16xf32> to vector<16xf32>
      %add3A_289 = arith.constant 1 : i32
      %add3A_290 = arith.addi %mul3A_16, %add3A_289 : i32
      %get3A_291 = arith.index_cast %add3A_290 : i32 to index
      %get3A_292 = arith.constant 144 : index
      %get3A_293 = tpu.vector_load %arg6[%get3A_291, %get3A_292] {strides = array<i32>} : memref<128x256xf32, #tpu.memory_space<vmem>>, vector<1x16xf32>,
      %get3A_294 = vector.shape_cast %get3A_293 : vector<1x16xf32> to vector<16xf32>
      %add3A_295 = arith.addf %get3A_288, %get3A_294 : vector<16xf32>
      %add3A_296 = arith.constant 2 : i32
      %add3A_297 = arith.addi %mul3A_16, %add3A_296 : i32
      %get3A_298 = arith.index_cast %add3A_297 : i32 to index
      %get3A_299 = arith.constant 144 : index
      %get3A_300 = tpu.vector_load %arg6[%get3A_298, %get3A_299] {strides = array<i32>} : memref<128x256xf32, #tpu.memory_space<vmem>>, vector<1x16xf32>,
      %get3A_301 = vector.shape_cast %get3A_300 : vector<1x16xf32> to vector<16xf32>
      %add3A_302 = arith.addf %add3A_295, %get3A_301 : vector<16xf32>
      %add3A_303 = arith.constant 3 : i32
      %add3A_304 = arith.addi %mul3A_16, %add3A_303 : i32
      %get3A_305 = arith.index_cast %add3A_304 : i32 to index
      %get3A_306 = arith.constant 144 : index
      %get3A_307 = tpu.vector_load %arg6[%get3A_305, %get3A_306] {strides = array<i32>} : memref<128x256xf32, #tpu.memory_space<vmem>>, vector<1x16xf32>,
      %get3A_308 = vector.shape_cast %get3A_307 : vector<1x16xf32> to vector<16xf32>
      %add3A_309 = arith.addf %add3A_302, %get3A_308 : vector<16xf32>
      %swap3A_310 = arith.index_cast %scan3A_14 : i32 to index
      %swap3A_311 = arith.constant 144 : index
      %swap3A_312 = tpu.vector_load %arg7[%swap3A_310, %swap3A_311] {strides = array<i32>} : memref<32x256xf32, #tpu.memory_space<vmem>>, vector<1x16xf32>,
      %swap3A_313 = vector.shape_cast %swap3A_312 : vector<1x16xf32> to vector<16xf32>
      %swap3A_314 = vector.shape_cast %add3A_309 : vector<16xf32> to vector<1x16xf32>
      tpu.vector_store %arg7[%swap3A_310, %swap3A_311], %swap3A_314 {strides = array<i32>} : memref<32x256xf32, #tpu.memory_space<vmem>>, vector<1x16xf32>,
      %get3A_315 = arith.index_cast %mul3A_16 : i32 to index
      %get3A_316 = arith.constant 160 : index
      %get3A_317 = tpu.vector_load %arg6[%get3A_315, %get3A_316] {strides = array<i32>} : memref<128x256xf32, #tpu.memory_space<vmem>>, vector<1x16xf32>,
      %get3A_318 = vector.shape_cast %get3A_317 : vector<1x16xf32> to vector<16xf32>
      %add3A_319 = arith.constant 1 : i32
      %add3A_320 = arith.addi %mul3A_16, %add3A_319 : i32
      %get3A_321 = arith.index_cast %add3A_320 : i32 to index
      %get3A_322 = arith.constant 160 : index
      %get3A_323 = tpu.vector_load %arg6[%get3A_321, %get3A_322] {strides = array<i32>} : memref<128x256xf32, #tpu.memory_space<vmem>>, vector<1x16xf32>,
      %get3A_324 = vector.shape_cast %get3A_323 : vector<1x16xf32> to vector<16xf32>
      %add3A_325 = arith.addf %get3A_318, %get3A_324 : vector<16xf32>
      %add3A_326 = arith.constant 2 : i32
      %add3A_327 = arith.addi %mul3A_16, %add3A_326 : i32
      %get3A_328 = arith.index_cast %add3A_327 : i32 to index
      %get3A_329 = arith.constant 160 : index
      %get3A_330 = tpu.vector_load %arg6[%get3A_328, %get3A_329] {strides = array<i32>} : memref<128x256xf32, #tpu.memory_space<vmem>>, vector<1x16xf32>,
      %get3A_331 = vector.shape_cast %get3A_330 : vector<1x16xf32> to vector<16xf32>
      %add3A_332 = arith.addf %add3A_325, %get3A_331 : vector<16xf32>
      %add3A_333 = arith.constant 3 : i32
      %add3A_334 = arith.addi %mul3A_16, %add3A_333 : i32
      %get3A_335 = arith.index_cast %add3A_334 : i32 to index
      %get3A_336 = arith.constant 160 : index
      %get3A_337 = tpu.vector_load %arg6[%get3A_335, %get3A_336] {strides = array<i32>} : memref<128x256xf32, #tpu.memory_space<vmem>>, vector<1x16xf32>,
      %get3A_338 = vector.shape_cast %get3A_337 : vector<1x16xf32> to vector<16xf32>
      %add3A_339 = arith.addf %add3A_332, %get3A_338 : vector<16xf32>
      %swap3A_340 = arith.index_cast %scan3A_14 : i32 to index
      %swap3A_341 = arith.constant 160 : index
      %swap3A_342 = tpu.vector_load %arg7[%swap3A_340, %swap3A_341] {strides = array<i32>} : memref<32x256xf32, #tpu.memory_space<vmem>>, vector<1x16xf32>,
      %swap3A_343 = vector.shape_cast %swap3A_342 : vector<1x16xf32> to vector<16xf32>
      %swap3A_344 = vector.shape_cast %add3A_339 : vector<16xf32> to vector<1x16xf32>
      tpu.vector_store %arg7[%swap3A_340, %swap3A_341], %swap3A_344 {strides = array<i32>} : memref<32x256xf32, #tpu.memory_space<vmem>>, vector<1x16xf32>,
      %get3A_345 = arith.index_cast %mul3A_16 : i32 to index
      %get3A_346 = arith.constant 176 : index
      %get3A_347 = tpu.vector_load %arg6[%get3A_345, %get3A_346] {strides = array<i32>} : memref<128x256xf32, #tpu.memory_space<vmem>>, vector<1x16xf32>,
      %get3A_348 = vector.shape_cast %get3A_347 : vector<1x16xf32> to vector<16xf32>
      %add3A_349 = arith.constant 1 : i32
      %add3A_350 = arith.addi %mul3A_16, %add3A_349 : i32
      %get3A_351 = arith.index_cast %add3A_350 : i32 to index
      %get3A_352 = arith.constant 176 : index
      %get3A_353 = tpu.vector_load %arg6[%get3A_351, %get3A_352] {strides = array<i32>} : memref<128x256xf32, #tpu.memory_space<vmem>>, vector<1x16xf32>,
      %get3A_354 = vector.shape_cast %get3A_353 : vector<1x16xf32> to vector<16xf32>
      %add3A_355 = arith.addf %get3A_348, %get3A_354 : vector<16xf32>
      %add3A_356 = arith.constant 2 : i32
      %add3A_357 = arith.addi %mul3A_16, %add3A_356 : i32
      %get3A_358 = arith.index_cast %add3A_357 : i32 to index
      %get3A_359 = arith.constant 176 : index
      %get3A_360 = tpu.vector_load %arg6[%get3A_358, %get3A_359] {strides = array<i32>} : memref<128x256xf32, #tpu.memory_space<vmem>>, vector<1x16xf32>,
      %get3A_361 = vector.shape_cast %get3A_360 : vector<1x16xf32> to vector<16xf32>
      %add3A_362 = arith.addf %add3A_355, %get3A_361 : vector<16xf32>
      %add3A_363 = arith.constant 3 : i32
      %add3A_364 = arith.addi %mul3A_16, %add3A_363 : i32
      %get3A_365 = arith.index_cast %add3A_364 : i32 to index
      %get3A_366 = arith.constant 176 : index
      %get3A_367 = tpu.vector_load %arg6[%get3A_365, %get3A_366] {strides = array<i32>} : memref<128x256xf32, #tpu.memory_space<vmem>>, vector<1x16xf32>,
      %get3A_368 = vector.shape_cast %get3A_367 : vector<1x16xf32> to vector<16xf32>
      %add3A_369 = arith.addf %add3A_362, %get3A_368 : vector<16xf32>
      %swap3A_370 = arith.index_cast %scan3A_14 : i32 to index
      %swap3A_371 = arith.constant 176 : index
      %swap3A_372 = tpu.vector_load %arg7[%swap3A_370, %swap3A_371] {strides = array<i32>} : memref<32x256xf32, #tpu.memory_space<vmem>>, vector<1x16xf32>,
      %swap3A_373 = vector.shape_cast %swap3A_372 : vector<1x16xf32> to vector<16xf32>
      %swap3A_374 = vector.shape_cast %add3A_369 : vector<16xf32> to vector<1x16xf32>
      tpu.vector_store %arg7[%swap3A_370, %swap3A_371], %swap3A_374 {strides = array<i32>} : memref<32x256xf32, #tpu.memory_space<vmem>>, vector<1x16xf32>,
      %get3A_375 = arith.index_cast %mul3A_16 : i32 to index
      %get3A_376 = arith.constant 192 : index
      %get3A_377 = tpu.vector_load %arg6[%get3A_375, %get3A_376] {strides = array<i32>} : memref<128x256xf32, #tpu.memory_space<vmem>>, vector<1x16xf32>,
      %get3A_378 = vector.shape_cast %get3A_377 : vector<1x16xf32> to vector<16xf32>
      %add3A_379 = arith.constant 1 : i32
      %add3A_380 = arith.addi %mul3A_16, %add3A_379 : i32
      %get3A_381 = arith.index_cast %add3A_380 : i32 to index
      %get3A_382 = arith.constant 192 : index
      %get3A_383 = tpu.vector_load %arg6[%get3A_381, %get3A_382] {strides = array<i32>} : memref<128x256xf32, #tpu.memory_space<vmem>>, vector<1x16xf32>,
      %get3A_384 = vector.shape_cast %get3A_383 : vector<1x16xf32> to vector<16xf32>
      %add3A_385 = arith.addf %get3A_378, %get3A_384 : vector<16xf32>
      %add3A_386 = arith.constant 2 : i32
      %add3A_387 = arith.addi %mul3A_16, %add3A_386 : i32
      %get3A_388 = arith.index_cast %add3A_387 : i32 to index
      %get3A_389 = arith.constant 192 : index
      %get3A_390 = tpu.vector_load %arg6[%get3A_388, %get3A_389] {strides = array<i32>} : memref<128x256xf32, #tpu.memory_space<vmem>>, vector<1x16xf32>,
      %get3A_391 = vector.shape_cast %get3A_390 : vector<1x16xf32> to vector<16xf32>
      %add3A_392 = arith.addf %add3A_385, %get3A_391 : vector<16xf32>
      %add3A_393 = arith.constant 3 : i32
      %add3A_394 = arith.addi %mul3A_16, %add3A_393 : i32
      %get3A_395 = arith.index_cast %add3A_394 : i32 to index
      %get3A_396 = arith.constant 192 : index
      %get3A_397 = tpu.vector_load %arg6[%get3A_395, %get3A_396] {strides = array<i32>} : memref<128x256xf32, #tpu.memory_space<vmem>>, vector<1x16xf32>,
      %get3A_398 = vector.shape_cast %get3A_397 : vector<1x16xf32> to vector<16xf32>
      %add3A_399 = arith.addf %add3A_392, %get3A_398 : vector<16xf32>
      %swap3A_400 = arith.index_cast %scan3A_14 : i32 to index
      %swap3A_401 = arith.constant 192 : index
      %swap3A_402 = tpu.vector_load %arg7[%swap3A_400, %swap3A_401] {strides = array<i32>} : memref<32x256xf32, #tpu.memory_space<vmem>>, vector<1x16xf32>,
      %swap3A_403 = vector.shape_cast %swap3A_402 : vector<1x16xf32> to vector<16xf32>
      %swap3A_404 = vector.shape_cast %add3A_399 : vector<16xf32> to vector<1x16xf32>
      tpu.vector_store %arg7[%swap3A_400, %swap3A_401], %swap3A_404 {strides = array<i32>} : memref<32x256xf32, #tpu.memory_space<vmem>>, vector<1x16xf32>,
      %get3A_405 = arith.index_cast %mul3A_16 : i32 to index
      %get3A_406 = arith.constant 208 : index
      %get3A_407 = tpu.vector_load %arg6[%get3A_405, %get3A_406] {strides = array<i32>} : memref<128x256xf32, #tpu.memory_space<vmem>>, vector<1x16xf32>,
      %get3A_408 = vector.shape_cast %get3A_407 : vector<1x16xf32> to vector<16xf32>
      %add3A_409 = arith.constant 1 : i32
      %add3A_410 = arith.addi %mul3A_16, %add3A_409 : i32
      %get3A_411 = arith.index_cast %add3A_410 : i32 to index
      %get3A_412 = arith.constant 208 : index
      %get3A_413 = tpu.vector_load %arg6[%get3A_411, %get3A_412] {strides = array<i32>} : memref<128x256xf32, #tpu.memory_space<vmem>>, vector<1x16xf32>,
      %get3A_414 = vector.shape_cast %get3A_413 : vector<1x16xf32> to vector<16xf32>
      %add3A_415 = arith.addf %get3A_408, %get3A_414 : vector<16xf32>
      %add3A_416 = arith.constant 2 : i32
      %add3A_417 = arith.addi %mul3A_16, %add3A_416 : i32
      %get3A_418 = arith.index_cast %add3A_417 : i32 to index
      %get3A_419 = arith.constant 208 : index
      %get3A_420 = tpu.vector_load %arg6[%get3A_418, %get3A_419] {strides = array<i32>} : memref<128x256xf32, #tpu.memory_space<vmem>>, vector<1x16xf32>,
      %get3A_421 = vector.shape_cast %get3A_420 : vector<1x16xf32> to vector<16xf32>
      %add3A_422 = arith.addf %add3A_415, %get3A_421 : vector<16xf32>
      %add3A_423 = arith.constant 3 : i32
      %add3A_424 = arith.addi %mul3A_16, %add3A_423 : i32
      %get3A_425 = arith.index_cast %add3A_424 : i32 to index
      %get3A_426 = arith.constant 208 : index
      %get3A_427 = tpu.vector_load %arg6[%get3A_425, %get3A_426] {strides = array<i32>} : memref<128x256xf32, #tpu.memory_space<vmem>>, vector<1x16xf32>,
      %get3A_428 = vector.shape_cast %get3A_427 : vector<1x16xf32> to vector<16xf32>
      %add3A_429 = arith.addf %add3A_422, %get3A_428 : vector<16xf32>
      %swap3A_430 = arith.index_cast %scan3A_14 : i32 to index
      %swap3A_431 = arith.constant 208 : index
      %swap3A_432 = tpu.vector_load %arg7[%swap3A_430, %swap3A_431] {strides = array<i32>} : memref<32x256xf32, #tpu.memory_space<vmem>>, vector<1x16xf32>,
      %swap3A_433 = vector.shape_cast %swap3A_432 : vector<1x16xf32> to vector<16xf32>
      %swap3A_434 = vector.shape_cast %add3A_429 : vector<16xf32> to vector<1x16xf32>
      tpu.vector_store %arg7[%swap3A_430, %swap3A_431], %swap3A_434 {strides = array<i32>} : memref<32x256xf32, #tpu.memory_space<vmem>>, vector<1x16xf32>,
      %get3A_435 = arith.index_cast %mul3A_16 : i32 to index
      %get3A_436 = arith.constant 224 : index
      %get3A_437 = tpu.vector_load %arg6[%get3A_435, %get3A_436] {strides = array<i32>} : memref<128x256xf32, #tpu.memory_space<vmem>>, vector<1x16xf32>,
      %get3A_438 = vector.shape_cast %get3A_437 : vector<1x16xf32> to vector<16xf32>
      %add3A_439 = arith.constant 1 : i32
      %add3A_440 = arith.addi %mul3A_16, %add3A_439 : i32
      %get3A_441 = arith.index_cast %add3A_440 : i32 to index
      %get3A_442 = arith.constant 224 : index
      %get3A_443 = tpu.vector_load %arg6[%get3A_441, %get3A_442] {strides = array<i32>} : memref<128x256xf32, #tpu.memory_space<vmem>>, vector<1x16xf32>,
      %get3A_444 = vector.shape_cast %get3A_443 : vector<1x16xf32> to vector<16xf32>
      %add3A_445 = arith.addf %get3A_438, %get3A_444 : vector<16xf32>
      %add3A_446 = arith.constant 2 : i32
      %add3A_447 = arith.addi %mul3A_16, %add3A_446 : i32
      %get3A_448 = arith.index_cast %add3A_447 : i32 to index
      %get3A_449 = arith.constant 224 : index
      %get3A_450 = tpu.vector_load %arg6[%get3A_448, %get3A_449] {strides = array<i32>} : memref<128x256xf32, #tpu.memory_space<vmem>>, vector<1x16xf32>,
      %get3A_451 = vector.shape_cast %get3A_450 : vector<1x16xf32> to vector<16xf32>
      %add3A_452 = arith.addf %add3A_445, %get3A_451 : vector<16xf32>
      %add3A_453 = arith.constant 3 : i32
      %add3A_454 = arith.addi %mul3A_16, %add3A_453 : i32
      %get3A_455 = arith.index_cast %add3A_454 : i32 to index
      %get3A_456 = arith.constant 224 : index
      %get3A_457 = tpu.vector_load %arg6[%get3A_455, %get3A_456] {strides = array<i32>} : memref<128x256xf32, #tpu.memory_space<vmem>>, vector<1x16xf32>,
      %get3A_458 = vector.shape_cast %get3A_457 : vector<1x16xf32> to vector<16xf32>
      %add3A_459 = arith.addf %add3A_452, %get3A_458 : vector<16xf32>
      %swap3A_460 = arith.index_cast %scan3A_14 : i32 to index
      %swap3A_461 = arith.constant 224 : index
      %swap3A_462 = tpu.vector_load %arg7[%swap3A_460, %swap3A_461] {strides = array<i32>} : memref<32x256xf32, #tpu.memory_space<vmem>>, vector<1x16xf32>,
      %swap3A_463 = vector.shape_cast %swap3A_462 : vector<1x16xf32> to vector<16xf32>
      %swap3A_464 = vector.shape_cast %add3A_459 : vector<16xf32> to vector<1x16xf32>
      tpu.vector_store %arg7[%swap3A_460, %swap3A_461], %swap3A_464 {strides = array<i32>} : memref<32x256xf32, #tpu.memory_space<vmem>>, vector<1x16xf32>,
      %get3A_465 = arith.index_cast %mul3A_16 : i32 to index
      %get3A_466 = arith.constant 240 : index
      %get3A_467 = tpu.vector_load %arg6[%get3A_465, %get3A_466] {strides = array<i32>} : memref<128x256xf32, #tpu.memory_space<vmem>>, vector<1x16xf32>,
      %get3A_468 = vector.shape_cast %get3A_467 : vector<1x16xf32> to vector<16xf32>
      %add3A_469 = arith.constant 1 : i32
      %add3A_470 = arith.addi %mul3A_16, %add3A_469 : i32
      %get3A_471 = arith.index_cast %add3A_470 : i32 to index
      %get3A_472 = arith.constant 240 : index
      %get3A_473 = tpu.vector_load %arg6[%get3A_471, %get3A_472] {strides = array<i32>} : memref<128x256xf32, #tpu.memory_space<vmem>>, vector<1x16xf32>,
      %get3A_474 = vector.shape_cast %get3A_473 : vector<1x16xf32> to vector<16xf32>
      %add3A_475 = arith.addf %get3A_468, %get3A_474 : vector<16xf32>
      %add3A_476 = arith.constant 2 : i32
      %add3A_477 = arith.addi %mul3A_16, %add3A_476 : i32
      %get3A_478 = arith.index_cast %add3A_477 : i32 to index
      %get3A_479 = arith.constant 240 : index
      %get3A_480 = tpu.vector_load %arg6[%get3A_478, %get3A_479] {strides = array<i32>} : memref<128x256xf32, #tpu.memory_space<vmem>>, vector<1x16xf32>,
      %get3A_481 = vector.shape_cast %get3A_480 : vector<1x16xf32> to vector<16xf32>
      %add3A_482 = arith.addf %add3A_475, %get3A_481 : vector<16xf32>
      %add3A_483 = arith.constant 3 : i32
      %add3A_484 = arith.addi %mul3A_16, %add3A_483 : i32
      %get3A_485 = arith.index_cast %add3A_484 : i32 to index
      %get3A_486 = arith.constant 240 : index
      %get3A_487 = tpu.vector_load %arg6[%get3A_485, %get3A_486] {strides = array<i32>} : memref<128x256xf32, #tpu.memory_space<vmem>>, vector<1x16xf32>,
      %get3A_488 = vector.shape_cast %get3A_487 : vector<1x16xf32> to vector<16xf32>
      %add3A_489 = arith.addf %add3A_482, %get3A_488 : vector<16xf32>
      %swap3A_490 = arith.index_cast %scan3A_14 : i32 to index
      %swap3A_491 = arith.constant 240 : index
      %swap3A_492 = tpu.vector_load %arg7[%swap3A_490, %swap3A_491] {strides = array<i32>} : memref<32x256xf32, #tpu.memory_space<vmem>>, vector<1x16xf32>,
      %swap3A_493 = vector.shape_cast %swap3A_492 : vector<1x16xf32> to vector<16xf32>
      %swap3A_494 = vector.shape_cast %add3A_489 : vector<16xf32> to vector<1x16xf32>
      tpu.vector_store %arg7[%swap3A_490, %swap3A_491], %swap3A_494 {strides = array<i32>} : memref<32x256xf32, #tpu.memory_space<vmem>>, vector<1x16xf32>,
    }
    %scan3A_11 = arith.constant 32 : i32
    %mul3A_12 = arith.constant 32 : i32
    %mul3A_13 = arith.muli %add3A, %mul3A_12 : i32
    "tpu.region"() ({
      %run_scoped3A = tpu.sem_alloc : memref<!tpu.dma_semaphore, #tpu.memory_space<semaphore_mem>>
      %dma_start3A_14 = arith.constant 0 : i32
      %dma_start3A_15 = tpu.memref_slice %arg4[%mul3A_13, %dma_start3A_14] : memref<1024x256xf32, #tpu.memory_space<hbm>> -> memref<32x256xf32, #tpu.memory_space<hbm>>
      %dma_start3A_16 = arith.constant 0 : i32
      %dma_start3A_17 = tpu.memref_slice %arg4[%mul3A_13, %dma_start3A_16] : memref<1024x256xf32, #tpu.memory_space<hbm>> -> memref<32x256xf32, #tpu.memory_space<hbm>>
      tpu.enqueue_dma source(%arg7 : memref<32x256xf32, #tpu.memory_space<vmem>>) target(%dma_start3A_17 : memref<32x256xf32, #tpu.memory_space<hbm>>) target_semaphore(%run_scoped3A : memref<!tpu.dma_semaphore, #tpu.memory_space<semaphore_mem>>)
      %dma_wait3A_18 = arith.constant 0 : i32
      %dma_wait3A_19 = tpu.memref_slice %arg4[%mul3A_13, %dma_wait3A_18] : memref<1024x256xf32, #tpu.memory_space<hbm>> -> memref<32x256xf32, #tpu.memory_space<hbm>>
      %dma_wait3A_20 = arith.constant 0 : i32
      %dma_wait3A_21 = tpu.memref_slice %arg4[%mul3A_13, %dma_wait3A_20] : memref<1024x256xf32, #tpu.memory_space<hbm>> -> memref<32x256xf32, #tpu.memory_space<hbm>>
      tpu.wait_dma2 semaphore(%run_scoped3A : memref<!tpu.dma_semaphore, #tpu.memory_space<semaphore_mem>>) src(%arg7 : memref<32x256xf32, #tpu.memory_space<vmem>>) dst(%dma_wait3A_21 : memref<32x256xf32, #tpu.memory_space<hbm>>)
      tpu.yield
    }) : () -> ()
    return
  }
}

module attributes {stable_mosaic.version = 14 : i64} {
  func.func @_kmeans_topk_kernel(%arg0: memref<3600x4xf32, #tpu.memory_space<vmem>>, %arg1: memref<3x900xf32, #tpu.memory_space<vmem>>, %arg2: memref<3600x11xf32, #tpu.memory_space<vmem>>, %arg3: memref<900x11xf32, #tpu.memory_space<vmem>>, %arg4: memref<900x4xi32, #tpu.memory_space<vmem>>) attributes {dimension_semantics = [], scalar_prefetch = 0 : i64, scratch_operands = 0 : i64, tpu.core_type = #tpu.core_type<tc>} {
    %get3A = arith.constant 0 : index
    %get3A_0 = arith.constant 0 : index
    %get3A_1 = vector.load %arg0[%get3A, %get3A_0] : memref<3600x4xf32, #tpu.memory_space<vmem>>, vector<3600x4xf32>
    %slice3A = vector.extract_strided_slice %get3A_1 {offsets = [0, 0], sizes = [3600, 3], strides = [1, 1]} : vector<3600x4xf32> to vector<3600x3xf32>
    %mul3A = arith.mulf %slice3A, %slice3A : vector<3600x3xf32>
    %reduce_sum3A = arith.constant dense<0.000000e+00> : vector<3600xf32>
    %reduce_sum3A_2 = vector.multi_reduction <add>, %mul3A, %reduce_sum3A [1] : vector<3600x3xf32> to vector<3600xf32>
    %broadcast_in_dim3A = vector.shape_cast %reduce_sum3A_2 : vector<3600xf32> to vector<3600x1xf32>
    %get3A_3 = arith.constant 0 : index
    %get3A_4 = arith.constant 0 : index
    %get3A_5 = vector.load %arg1[%get3A_3, %get3A_4] : memref<3x900xf32, #tpu.memory_space<vmem>>, vector<3x900xf32>
    %scan3A = arith.constant 0 : i32
    %scan3A_6 = arith.constant 10 : i32
    %scan3A_7 = arith.addi %scan3A, %scan3A_6 : i32
    %scan3A_8 = arith.constant 1 : i32
    %scan3A_9 = scf.for %scan3A_113 = %scan3A to %scan3A_7 step %scan3A_8 iter_args(%scan3A_114 = %get3A_5) -> (vector<3x900xf32>)  : i32 {
      %mul3A_115 = arith.mulf %scan3A_114, %scan3A_114 : vector<3x900xf32>
      %reduce_sum3A_116 = arith.constant dense<0.000000e+00> : vector<900xf32>
      %reduce_sum3A_117 = vector.multi_reduction <add>, %mul3A_115, %reduce_sum3A_116 [0] : vector<3x900xf32> to vector<900xf32>
      %broadcast_in_dim3A_118 = vector.shape_cast %reduce_sum3A_117 : vector<900xf32> to vector<1x900xf32>
      %dot_general3A_119 = arith.constant dense<0.000000e+00> : vector<3600x900xf32>
      %dot_general3A_120 = tpu.matmul %slice3A, %scan3A_114, %dot_general3A_119 {dimension_numbers = #tpu.dot_dimension_numbers<[1], [0], [0], [1], [0, 0, 1, 1], [], []>, transpose_lhs_hint = false} : vector<3600x3xf32>, vector<3x900xf32>, vector<3600x900xf32> -> vector<3600x900xf32>
      %add3A_121 = vector.broadcast %broadcast_in_dim3A : vector<3600x1xf32> to vector<3600x900xf32>
      %add3A_122 = vector.broadcast %broadcast_in_dim3A_118 : vector<1x900xf32> to vector<3600x900xf32>
      %add3A_123 = arith.addf %add3A_121, %add3A_122 : vector<3600x900xf32>
      %mul3A_124 = arith.constant 2.000000e+00 : f32
      %mul3A_125 = vector.broadcast %mul3A_124 : f32 to vector<3600x900xf32>
      %mul3A_126 = arith.mulf %mul3A_125, %dot_general3A_120 : vector<3600x900xf32>
      %sub3A_127 = arith.subf %add3A_123, %mul3A_126 : vector<3600x900xf32>
      %max3A_128 = arith.constant 0.000000e+00 : f32
      %max3A_129 = vector.broadcast %max3A_128 : f32 to vector<3600x900xf32>
      %max3A_130 = arith.maximumf %sub3A_127, %max3A_129 : vector<3600x900xf32>
      %sqrt3A_131 = math.sqrt %max3A_130 : vector<3600x900xf32>
      %reduce_min3A_132 = arith.constant dense<0x7F800000> : vector<3600xf32>
      %reduce_min3A_133 = vector.multi_reduction <minimumf>, %sqrt3A_131, %reduce_min3A_132 [1] : vector<3600x900xf32> to vector<3600xf32>
      %broadcast_in_dim3A_134 = vector.shape_cast %reduce_min3A_133 : vector<3600xf32> to vector<3600x1xf32>
      %iota3A_135 = tpu.iota {dimensions = array<i32: 1>} : vector<3600x900xi32>
      %eq3A_136 = vector.broadcast %broadcast_in_dim3A_134 : vector<3600x1xf32> to vector<3600x900xf32>
      %eq3A_137 = arith.cmpf oeq, %sqrt3A_131, %eq3A_136 : vector<3600x900xf32>
      %jit3A_138 = arith.constant 900 : i32
      %broadcast_in_dim3A_139 = vector.broadcast %jit3A_138 : i32 to vector<3600x900xi32>
      %select_n3A_140 = arith.select %eq3A_137, %iota3A_135, %broadcast_in_dim3A_139 : vector<3600x900xi1>, vector<3600x900xi32>
      %reduce_min3A_141 = arith.constant dense<2147483647> : vector<3600xi32>
      %reduce_min3A_142 = vector.multi_reduction <minsi>, %select_n3A_140, %reduce_min3A_141 [1] : vector<3600x900xi32> to vector<3600xi32>
      %broadcast_in_dim3A_143 = vector.shape_cast %reduce_min3A_142 : vector<3600xi32> to vector<3600x1xi32>
      %eq3A_144 = vector.broadcast %broadcast_in_dim3A_143 : vector<3600x1xi32> to vector<3600x900xi32>
      %eq3A_145 = arith.cmpi eq, %iota3A_135, %eq3A_144 : vector<3600x900xi32>
      %convert_element_type3A_146 = arith.extui %eq3A_145 : vector<3600x900xi1> to vector<3600x900xi32>
      %convert_element_type3A_147 = arith.sitofp %convert_element_type3A_146 : vector<3600x900xi32> to vector<3600x900xf32>
      %reduce_sum3A_148 = arith.constant dense<0.000000e+00> : vector<900xf32>
      %reduce_sum3A_149 = vector.multi_reduction <add>, %convert_element_type3A_147, %reduce_sum3A_148 [0] : vector<3600x900xf32> to vector<900xf32>
      %broadcast_in_dim3A_150 = vector.shape_cast %reduce_sum3A_149 : vector<900xf32> to vector<1x900xf32>
      %slice3A_151 = vector.extract_strided_slice %get3A_1 {offsets = [0, 0], sizes = [3600, 1], strides = [1, 1]} : vector<3600x4xf32> to vector<3600x1xf32>
      %mul3A_152 = vector.broadcast %slice3A_151 : vector<3600x1xf32> to vector<3600x900xf32>
      %mul3A_153 = arith.mulf %convert_element_type3A_147, %mul3A_152 : vector<3600x900xf32>
      %reduce_sum3A_154 = arith.constant dense<0.000000e+00> : vector<900xf32>
      %reduce_sum3A_155 = vector.multi_reduction <add>, %mul3A_153, %reduce_sum3A_154 [0] : vector<3600x900xf32> to vector<900xf32>
      %broadcast_in_dim3A_156 = vector.shape_cast %reduce_sum3A_155 : vector<900xf32> to vector<1x900xf32>
      %slice3A_157 = vector.extract_strided_slice %get3A_1 {offsets = [0, 1], sizes = [3600, 1], strides = [1, 1]} : vector<3600x4xf32> to vector<3600x1xf32>
      %mul3A_158 = vector.broadcast %slice3A_157 : vector<3600x1xf32> to vector<3600x900xf32>
      %mul3A_159 = arith.mulf %convert_element_type3A_147, %mul3A_158 : vector<3600x900xf32>
      %reduce_sum3A_160 = arith.constant dense<0.000000e+00> : vector<900xf32>
      %reduce_sum3A_161 = vector.multi_reduction <add>, %mul3A_159, %reduce_sum3A_160 [0] : vector<3600x900xf32> to vector<900xf32>
      %broadcast_in_dim3A_162 = vector.shape_cast %reduce_sum3A_161 : vector<900xf32> to vector<1x900xf32>
      %slice3A_163 = vector.extract_strided_slice %get3A_1 {offsets = [0, 2], sizes = [3600, 1], strides = [1, 1]} : vector<3600x4xf32> to vector<3600x1xf32>
      %mul3A_164 = vector.broadcast %slice3A_163 : vector<3600x1xf32> to vector<3600x900xf32>
      %mul3A_165 = arith.mulf %convert_element_type3A_147, %mul3A_164 : vector<3600x900xf32>
      %reduce_sum3A_166 = arith.constant dense<0.000000e+00> : vector<900xf32>
      %reduce_sum3A_167 = vector.multi_reduction <add>, %mul3A_165, %reduce_sum3A_166 [0] : vector<3600x900xf32> to vector<900xf32>
      %broadcast_in_dim3A_168 = vector.shape_cast %reduce_sum3A_167 : vector<900xf32> to vector<1x900xf32>
      %concatenate3A = tpu.concatenate %broadcast_in_dim3A_156, %broadcast_in_dim3A_162, %broadcast_in_dim3A_168 in 0 : vector<1x900xf32>, vector<1x900xf32>, vector<1x900xf32> -> vector<3x900xf32>
      %gt3A = arith.constant 0.000000e+00 : f32
      %gt3A_169 = vector.broadcast %gt3A : f32 to vector<1x900xf32>
      %gt3A_170 = arith.cmpf ogt, %broadcast_in_dim3A_150, %gt3A_169 : vector<1x900xf32>
      %max3A_171 = arith.constant 1.000000e+00 : f32
      %max3A_172 = vector.broadcast %max3A_171 : f32 to vector<1x900xf32>
      %max3A_173 = arith.maximumf %broadcast_in_dim3A_150, %max3A_172 : vector<1x900xf32>
      %div3A = vector.broadcast %max3A_173 : vector<1x900xf32> to vector<3x900xf32>
      %div3A_174 = arith.divf %concatenate3A, %div3A : vector<3x900xf32>
      %broadcast_in_dim3A_175 = vector.shape_cast %gt3A_170 : vector<1x900xi1> to vector<1x900xi1>
      %broadcast_in_dim3A_176 = vector.broadcast %broadcast_in_dim3A_175 : vector<1x900xi1> to vector<3x900xi1>
      %select_n3A_177 = arith.select %broadcast_in_dim3A_176, %div3A_174, %scan3A_114 : vector<3x900xi1>, vector<3x900xf32>
      scf.yield %select_n3A_177 : vector<3x900xf32>
    }
    %mul3A_10 = arith.mulf %scan3A_9, %scan3A_9 : vector<3x900xf32>
    %reduce_sum3A_11 = arith.constant dense<0.000000e+00> : vector<900xf32>
    %reduce_sum3A_12 = vector.multi_reduction <add>, %mul3A_10, %reduce_sum3A_11 [0] : vector<3x900xf32> to vector<900xf32>
    %broadcast_in_dim3A_13 = vector.shape_cast %reduce_sum3A_12 : vector<900xf32> to vector<1x900xf32>
    %dot_general3A = arith.constant dense<0.000000e+00> : vector<3600x900xf32>
    %dot_general3A_14 = tpu.matmul %slice3A, %scan3A_9, %dot_general3A {dimension_numbers = #tpu.dot_dimension_numbers<[1], [0], [0], [1], [0, 0, 1, 1], [], []>, transpose_lhs_hint = false} : vector<3600x3xf32>, vector<3x900xf32>, vector<3600x900xf32> -> vector<3600x900xf32>
    %add3A = vector.broadcast %broadcast_in_dim3A : vector<3600x1xf32> to vector<3600x900xf32>
    %add3A_15 = vector.broadcast %broadcast_in_dim3A_13 : vector<1x900xf32> to vector<3600x900xf32>
    %add3A_16 = arith.addf %add3A, %add3A_15 : vector<3600x900xf32>
    %mul3A_17 = arith.constant 2.000000e+00 : f32
    %mul3A_18 = vector.broadcast %mul3A_17 : f32 to vector<3600x900xf32>
    %mul3A_19 = arith.mulf %mul3A_18, %dot_general3A_14 : vector<3600x900xf32>
    %sub3A = arith.subf %add3A_16, %mul3A_19 : vector<3600x900xf32>
    %max3A = arith.constant 0.000000e+00 : f32
    %max3A_20 = vector.broadcast %max3A : f32 to vector<3600x900xf32>
    %max3A_21 = arith.maximumf %sub3A, %max3A_20 : vector<3600x900xf32>
    %sqrt3A = math.sqrt %max3A_21 : vector<3600x900xf32>
    %reduce_min3A = arith.constant dense<0x7F800000> : vector<900xf32>
    %reduce_min3A_22 = vector.multi_reduction <minimumf>, %sqrt3A, %reduce_min3A [0] : vector<3600x900xf32> to vector<900xf32>
    %broadcast_in_dim3A_23 = vector.shape_cast %reduce_min3A_22 : vector<900xf32> to vector<1x900xf32>
    %iota3A = tpu.iota {dimensions = array<i32: 0>} : vector<3600x900xi32>
    %eq3A = vector.broadcast %broadcast_in_dim3A_23 : vector<1x900xf32> to vector<3600x900xf32>
    %eq3A_24 = arith.cmpf oeq, %sqrt3A, %eq3A : vector<3600x900xf32>
    %jit3A = arith.constant 3600 : i32
    %broadcast_in_dim3A_25 = vector.broadcast %jit3A : i32 to vector<3600x900xi32>
    %select_n3A = arith.select %eq3A_24, %iota3A, %broadcast_in_dim3A_25 : vector<3600x900xi1>, vector<3600x900xi32>
    %reduce_min3A_26 = arith.constant dense<2147483647> : vector<900xi32>
    %reduce_min3A_27 = vector.multi_reduction <minsi>, %select_n3A, %reduce_min3A_26 [0] : vector<3600x900xi32> to vector<900xi32>
    %broadcast_in_dim3A_28 = vector.shape_cast %reduce_min3A_27 : vector<900xi32> to vector<1x900xi32>
    %eq3A_29 = vector.broadcast %broadcast_in_dim3A_28 : vector<1x900xi32> to vector<3600x900xi32>
    %eq3A_30 = arith.cmpi eq, %iota3A, %eq3A_29 : vector<3600x900xi32>
    %convert_element_type3A = arith.extui %eq3A_30 : vector<3600x900xi1> to vector<3600x900xi32>
    %convert_element_type3A_31 = arith.sitofp %convert_element_type3A : vector<3600x900xi32> to vector<3600x900xf32>
    %convert_element_type3A_32 = arith.truncf %convert_element_type3A_31 : vector<3600x900xf32> to vector<3600x900xbf16>
    %get3A_33 = arith.constant 0 : index
    %get3A_34 = arith.constant 0 : index
    %get3A_35 = vector.load %arg2[%get3A_33, %get3A_34] : memref<3600x11xf32, #tpu.memory_space<vmem>>, vector<3600x11xf32>
    %dot_general3A_36 = arith.constant dense<0.000000e+00> : vector<900x11xf32>
    %dot_general3A_37 = tpu.matmul %convert_element_type3A_32, %get3A_35, %dot_general3A_36 {dimension_numbers = #tpu.dot_dimension_numbers<[0], [0], [1], [1], [0, 1, 1, 1], [], []>, transpose_lhs_hint = false} : vector<3600x900xbf16>, vector<3600x11xf32>, vector<900x11xf32> -> vector<900x11xf32>
    %swap3A = arith.constant 0 : index
    %swap3A_38 = arith.constant 0 : index
    %swap3A_39 = vector.load %arg3[%swap3A, %swap3A_38] : memref<900x11xf32, #tpu.memory_space<vmem>>, vector<900x11xf32>
    tpu.vector_store %arg3[%swap3A, %swap3A_38], %dot_general3A_37 {strides = array<i32>} : memref<900x11xf32, #tpu.memory_space<vmem>>, vector<900x11xf32>,
    %slice3A_40 = vector.extract_strided_slice %sqrt3A {offsets = [0, 0], sizes = [900, 900], strides = [1, 1]} : vector<3600x900xf32> to vector<900x900xf32>
    %iota3A_41 = tpu.iota {dimensions = array<i32: 1>} : vector<900x900xi32>
    %reduce_min3A_42 = arith.constant dense<0x7F800000> : vector<900xf32>
    %reduce_min3A_43 = vector.multi_reduction <minimumf>, %slice3A_40, %reduce_min3A_42 [1] : vector<900x900xf32> to vector<900xf32>
    %broadcast_in_dim3A_44 = vector.shape_cast %reduce_min3A_43 : vector<900xf32> to vector<900x1xf32>
    %eq3A_45 = vector.broadcast %broadcast_in_dim3A_44 : vector<900x1xf32> to vector<900x900xf32>
    %eq3A_46 = arith.cmpf oeq, %slice3A_40, %eq3A_45 : vector<900x900xf32>
    %jit3A_47 = arith.constant 900 : i32
    %broadcast_in_dim3A_48 = vector.broadcast %jit3A_47 : i32 to vector<900x900xi32>
    %select_n3A_49 = arith.select %eq3A_46, %iota3A_41, %broadcast_in_dim3A_48 : vector<900x900xi1>, vector<900x900xi32>
    %reduce_min3A_50 = arith.constant dense<2147483647> : vector<900xi32>
    %reduce_min3A_51 = vector.multi_reduction <minsi>, %select_n3A_49, %reduce_min3A_50 [1] : vector<900x900xi32> to vector<900xi32>
    %broadcast_in_dim3A_52 = vector.shape_cast %reduce_min3A_51 : vector<900xi32> to vector<900x1xi32>
    %swap3A_53 = arith.constant 0 : index
    %swap3A_54 = arith.constant 0 : index
    %swap3A_55 = vector.load %arg4[%swap3A_53, %swap3A_54] : memref<900x4xi32, #tpu.memory_space<vmem>>, vector<900x1xi32>
    tpu.vector_store %arg4[%swap3A_53, %swap3A_54], %broadcast_in_dim3A_52 {strides = array<i32>} : memref<900x4xi32, #tpu.memory_space<vmem>>, vector<900x1xi32>,
    %eq3A_56 = vector.broadcast %broadcast_in_dim3A_52 : vector<900x1xi32> to vector<900x900xi32>
    %eq3A_57 = arith.cmpi eq, %iota3A_41, %eq3A_56 : vector<900x900xi32>
    %jit3A_58 = arith.constant 0x7F800000 : f32
    %broadcast_in_dim3A_59 = vector.broadcast %jit3A_58 : f32 to vector<900x900xf32>
    %select_n3A_60 = arith.select %eq3A_57, %broadcast_in_dim3A_59, %slice3A_40 : vector<900x900xi1>, vector<900x900xf32>
    %reduce_min3A_61 = arith.constant dense<0x7F800000> : vector<900xf32>
    %reduce_min3A_62 = vector.multi_reduction <minimumf>, %select_n3A_60, %reduce_min3A_61 [1] : vector<900x900xf32> to vector<900xf32>
    %broadcast_in_dim3A_63 = vector.shape_cast %reduce_min3A_62 : vector<900xf32> to vector<900x1xf32>
    %eq3A_64 = vector.broadcast %broadcast_in_dim3A_63 : vector<900x1xf32> to vector<900x900xf32>
    %eq3A_65 = arith.cmpf oeq, %select_n3A_60, %eq3A_64 : vector<900x900xf32>
    %jit3A_66 = arith.constant 900 : i32
    %broadcast_in_dim3A_67 = vector.broadcast %jit3A_66 : i32 to vector<900x900xi32>
    %select_n3A_68 = arith.select %eq3A_65, %iota3A_41, %broadcast_in_dim3A_67 : vector<900x900xi1>, vector<900x900xi32>
    %reduce_min3A_69 = arith.constant dense<2147483647> : vector<900xi32>
    %reduce_min3A_70 = vector.multi_reduction <minsi>, %select_n3A_68, %reduce_min3A_69 [1] : vector<900x900xi32> to vector<900xi32>
    %broadcast_in_dim3A_71 = vector.shape_cast %reduce_min3A_70 : vector<900xi32> to vector<900x1xi32>
    %swap3A_72 = arith.constant 0 : index
    %swap3A_73 = arith.constant 1 : index
    %swap3A_74 = vector.load %arg4[%swap3A_72, %swap3A_73] : memref<900x4xi32, #tpu.memory_space<vmem>>, vector<900x1xi32>
    tpu.vector_store %arg4[%swap3A_72, %swap3A_73], %broadcast_in_dim3A_71 {strides = array<i32>} : memref<900x4xi32, #tpu.memory_space<vmem>>, vector<900x1xi32>,
    %eq3A_75 = vector.broadcast %broadcast_in_dim3A_71 : vector<900x1xi32> to vector<900x900xi32>
    %eq3A_76 = arith.cmpi eq, %iota3A_41, %eq3A_75 : vector<900x900xi32>
    %jit3A_77 = arith.constant 0x7F800000 : f32
    %broadcast_in_dim3A_78 = vector.broadcast %jit3A_77 : f32 to vector<900x900xf32>
    %select_n3A_79 = arith.select %eq3A_76, %broadcast_in_dim3A_78, %select_n3A_60 : vector<900x900xi1>, vector<900x900xf32>
    %reduce_min3A_80 = arith.constant dense<0x7F800000> : vector<900xf32>
    %reduce_min3A_81 = vector.multi_reduction <minimumf>, %select_n3A_79, %reduce_min3A_80 [1] : vector<900x900xf32> to vector<900xf32>
    %broadcast_in_dim3A_82 = vector.shape_cast %reduce_min3A_81 : vector<900xf32> to vector<900x1xf32>
    %eq3A_83 = vector.broadcast %broadcast_in_dim3A_82 : vector<900x1xf32> to vector<900x900xf32>
    %eq3A_84 = arith.cmpf oeq, %select_n3A_79, %eq3A_83 : vector<900x900xf32>
    %jit3A_85 = arith.constant 900 : i32
    %broadcast_in_dim3A_86 = vector.broadcast %jit3A_85 : i32 to vector<900x900xi32>
    %select_n3A_87 = arith.select %eq3A_84, %iota3A_41, %broadcast_in_dim3A_86 : vector<900x900xi1>, vector<900x900xi32>
    %reduce_min3A_88 = arith.constant dense<2147483647> : vector<900xi32>
    %reduce_min3A_89 = vector.multi_reduction <minsi>, %select_n3A_87, %reduce_min3A_88 [1] : vector<900x900xi32> to vector<900xi32>
    %broadcast_in_dim3A_90 = vector.shape_cast %reduce_min3A_89 : vector<900xi32> to vector<900x1xi32>
    %swap3A_91 = arith.constant 0 : index
    %swap3A_92 = arith.constant 2 : index
    %swap3A_93 = vector.load %arg4[%swap3A_91, %swap3A_92] : memref<900x4xi32, #tpu.memory_space<vmem>>, vector<900x1xi32>
    tpu.vector_store %arg4[%swap3A_91, %swap3A_92], %broadcast_in_dim3A_90 {strides = array<i32>} : memref<900x4xi32, #tpu.memory_space<vmem>>, vector<900x1xi32>,
    %eq3A_94 = vector.broadcast %broadcast_in_dim3A_90 : vector<900x1xi32> to vector<900x900xi32>
    %eq3A_95 = arith.cmpi eq, %iota3A_41, %eq3A_94 : vector<900x900xi32>
    %jit3A_96 = arith.constant 0x7F800000 : f32
    %broadcast_in_dim3A_97 = vector.broadcast %jit3A_96 : f32 to vector<900x900xf32>
    %select_n3A_98 = arith.select %eq3A_95, %broadcast_in_dim3A_97, %select_n3A_79 : vector<900x900xi1>, vector<900x900xf32>
    %reduce_min3A_99 = arith.constant dense<0x7F800000> : vector<900xf32>
    %reduce_min3A_100 = vector.multi_reduction <minimumf>, %select_n3A_98, %reduce_min3A_99 [1] : vector<900x900xf32> to vector<900xf32>
    %broadcast_in_dim3A_101 = vector.shape_cast %reduce_min3A_100 : vector<900xf32> to vector<900x1xf32>
    %eq3A_102 = vector.broadcast %broadcast_in_dim3A_101 : vector<900x1xf32> to vector<900x900xf32>
    %eq3A_103 = arith.cmpf oeq, %select_n3A_98, %eq3A_102 : vector<900x900xf32>
    %jit3A_104 = arith.constant 900 : i32
    %broadcast_in_dim3A_105 = vector.broadcast %jit3A_104 : i32 to vector<900x900xi32>
    %select_n3A_106 = arith.select %eq3A_103, %iota3A_41, %broadcast_in_dim3A_105 : vector<900x900xi1>, vector<900x900xi32>
    %reduce_min3A_107 = arith.constant dense<2147483647> : vector<900xi32>
    %reduce_min3A_108 = vector.multi_reduction <minsi>, %select_n3A_106, %reduce_min3A_107 [1] : vector<900x900xi32> to vector<900xi32>
    %broadcast_in_dim3A_109 = vector.shape_cast %reduce_min3A_108 : vector<900xi32> to vector<900x1xi32>
    %swap3A_110 = arith.constant 0 : index
    %swap3A_111 = arith.constant 3 : index
    %swap3A_112 = vector.load %arg4[%swap3A_110, %swap3A_111] : memref<900x4xi32, #tpu.memory_space<vmem>>, vector<900x1xi32>
    tpu.vector_store %arg4[%swap3A_110, %swap3A_111], %broadcast_in_dim3A_109 {strides = array<i32>} : memref<900x4xi32, #tpu.memory_space<vmem>>, vector<900x1xi32>,
    return
  }
}

</mosaic_0001>

<sc_bundles>
// kernel: kernel.4.cloned.1.call-start
scs
__scs_entry_jumppad:
0x0: {  	(pc) =	sbr.rel $0x88, $3  }
0x1: {  	(tag) =	ssettag $0x0;
	lr =	simm.s32 $0x1  }
0x2: {  	[smem:$0x3F9F] =	sst lr;
	_ =	strace $0xD0000000  }
0x3: {  	_ = 	snop  }
0x4: {  	_ = 	snop  }
0x5: {  	_ = 	snop  }
0x6: {  	_ = 	snop  }
0x7: {  	_ = 	snop  }
__scs_overlays_trampoline_lowered:
0x8: {  	[smem:$0x3FAE] =	sst s0  }
0x9: {  	[smem:$0x3FAF] =	sst s1  }
0xa: {  	[smem:$0x3FB0] =	sst s2  }
0xb: {  	[smem:$0x3FB1] =	sst s3  }
0xc: {  	[smem:$0x3FB2] =	sst s4  }
0xd: {  	[smem:$0x3FB3] =	sst s5  }
0xe: {  	[smem:$0x3FB4] =	sst s6  }
0xf: {  	[smem:$0x3FB5] =	sst s7  }
0x10: {  	[smem:$0x3FB6] =	sst s8  }
0x11: {  	[smem:$0x3FB7] =	sst s9;
	s0 =	simm.s32 @!p0 $0x0  }
0x12: {  	s1 =	sld [smem:$0x3F9D];
	s0 =	simm.s32 @p0 $0x1  }
0x13: {  	[smem:$0x3FB8] =	sst s0;
	s0 =	simm.s32 @!p1 $0x0  }
0x14: {  	s2 =	sld [smem:$0x3F9C];
	s0 =	simm.s32 @p1 $0x1  }
0x15: {  	[smem:$0x3FB9] =	sst s0;
	s0 =	simm.s32 @!p2 $0x0  }
0x16: {  	s3 =	sld [smem:$0x3FDB];
	s0 =	simm.s32 @p2 $0x1  }
0x17: {  	s4 =	simm.s32 $0x1BF5;
	[smem:$0x3FBB] =	sst s0  }
0x18: {  	s0 =	sld [smem:$0x3F9E];
	_ =	swait.ge [sflag:s4], $0x0  }
0x19: {  	s7 =	sld [smem:$0x3F9F]  }
0x1a: {  	s8 =	sadd.s32 $0xFFFFE003, lr  }
0x1b: {  	s9 =	sadd.s32 $0xFFFFFEF7, lr;
	s5 =	simm.s32 $0xFFFFFFFF;
	p2 =	slt.u32 s8, $0xFFFFF086  }
0x1c: {  	p1 =	slt.u32 s9, $0xF7A;
	s5 =	simm.s32 @!p2 $0x0  }
0x1d: {  	s5 =	simm.s32 @p1 $0x1;
	p0 =	seq.s32 s7, s2  }
0x1e: {  	s7 =	smul.u32 @!p0 $0xF7A, s2;
	p2 =	seq.s32 @!p0 s5, $0x0  }
0x1f: {  	s9 =	smul.u32 $0xF7A, s1;
	s8 =	simm.s32 @!p0 $0x1BF5;
	p2 =	por !p2, p0  }
0x20: {  	[sflag:s8] =	ssyncset.s32 @!p0 $0xFFFFF086;
	s6 =	sadd.s32 @!p0 s3, s7;
	s7 =	simm.s32 @!p0 $0x108  }
0x21: {  	s3 =	sadd.s32 s3, s9;
	s6 =	sadd.s32 @!p0 $0x88, s6;
	s7 =	simm.s32 @p2 $0x1082  }
0x22: {  	[simem:s7], [sflag:s8] =	dma.local @!p0 [hbm:s6], $0xF7A  }
0x23: {  	s9 =	sor.u32 $0xD0000000, s2;
	s6 =	simm.s32 $0x108;
	_ =	swait.ge @!p0 [sflag:s8], $0x0  }
0x24: {  	s3 =	sadd.s32 $0x88, s3;
	s6 =	simm.s32 @!p1 $0x1082;
	[sflag:s4] =	ssyncset.s32 $0xFFFFF086  }
0x25: {  	[simem:s6], [sflag:s4] =	dma.local [hbm:s3], $0xF7A  }
0x26: {  	[smem:$0x3F9F] =	sst s1;
	(tag) =	ssettag s2;
	_ =	strace s9  }
0x27: {  	s1 =	sld [smem:$0x3FAF]  }
0x28: {  	s2 =	sld [smem:$0x3FB0]  }
0x29: {  	s4 =	sld [smem:$0x3FB2]  }
0x2a: {  	p0 =	seq.s32 s5, $0x0;
	s5 =	sld [smem:$0x3FB3]  }
0x2b: {  	s6 =	sld [smem:$0x3FB4]  }
0x2c: {  	s7 =	sld [smem:$0x3FB5]  }
0x2d: {  	s3 =	simm.s32 $0x108;
	s8 =	sld [smem:$0x3FB6]  }
0x2e: {  	s3 =	simm.s32 @!p0 $0x1082;
	s9 =	sld [smem:$0x3FB7]  }
0x2f: {  	lr =	sadd.s32 s0, s3;
	s0 =	sld [smem:$0x3FAE]  }
0x30: {  	s3 =	sld [smem:$0x3FB1]  }
0x31: {  	[smem:$0x3FBA] =	sst s10  }
0x32: {  	s10 =	sld [smem:$0x3FB8];
	_ =	sdelay $0x3  }
0x33: {  	p0 =	seq.s32 s10, $0x1;
	s10 =	sld [smem:$0x3FBA];
	_ =	sdelay $0x3  }
0x34: {  	[smem:$0x3FBA] =	sst s10  }
0x35: {  	s10 =	sld [smem:$0x3FB9];
	_ =	sdelay $0x3  }
0x36: {  	p1 =	seq.s32 s10, $0x1;
	s10 =	sld [smem:$0x3FBA];
	_ =	sdelay $0x3  }
0x37: {  	[smem:$0x3FBA] =	sst s10  }
0x38: {  	s10 =	sld [smem:$0x3FBB]  }
0x39: {  	_ = 	snop;
	(pc) =	sbr.ind lr, $3  }
0x3a: {  	_ = 	snop  }
0x3b: {  	_ = 	snop  }
0x3c: {  	p2 =	seq.s32 s10, $0x1;
	s10 =	sld [smem:$0x3FBA]  }
0x3d: {  	_ =	shalt  }
0x3e: {  	_ =	shalt  }
0x3f: {  	_ =	shalt  }
0x40: {  	_ =	shalt  }
0x41: {  	_ =	shalt  }
0x42: {  	_ =	shalt  }
0x43: {  	_ =	shalt  }
0x44: {  	_ =	shalt  }
0x45: {  	_ =	shalt  }
0x46: {  	_ =	shalt  }
0x47: {  	_ =	shalt  }
0x48: {  	_ =	shalt  }
0x49: {  	_ =	shalt  }
0x4a: {  	_ =	shalt  }
0x4b: {  	_ =	shalt  }
0x4c: {  	_ =	shalt  }
0x4d: {  	_ =	shalt  }
0x4e: {  	_ =	shalt  }
0x4f: {  	_ =	shalt  }
0x50: {  	_ =	shalt  }
0x51: {  	_ =	shalt  }
0x52: {  	_ =	shalt  }
0x53: {  	_ =	shalt  }
0x54: {  	_ =	shalt  }
0x55: {  	_ =	shalt  }
0x56: {  	_ =	shalt  }
0x57: {  	_ =	shalt  }
0x58: {  	_ =	shalt  }
0x59: {  	_ =	shalt  }
0x5a: {  	_ =	shalt  }
0x5b: {  	_ =	shalt  }
0x5c: {  	_ =	shalt  }
0x5d: {  	_ =	shalt  }
0x5e: {  	_ =	shalt  }
0x5f: {  	_ =	shalt  }
0x60: {  	_ =	shalt  }
0x61: {  	_ =	shalt  }
0x62: {  	_ =	shalt  }
0x63: {  	_ =	shalt  }
0x64: {  	_ =	shalt  }
0x65: {  	_ =	shalt  }
0x66: {  	_ =	shalt  }
0x67: {  	_ =	shalt  }
0x68: {  	_ =	shalt  }
0x69: {  	_ =	shalt  }
0x6a: {  	_ =	shalt  }
0x6b: {  	_ =	shalt  }
0x6c: {  	_ =	shalt  }
0x6d: {  	_ =	shalt  }
0x6e: {  	_ =	shalt  }
0x6f: {  	_ =	shalt  }
0x70: {  	_ =	shalt  }
0x71: {  	_ =	shalt  }
0x72: {  	_ =	shalt  }
0x73: {  	_ =	shalt  }
0x74: {  	_ =	shalt  }
0x75: {  	_ =	shalt  }
0x76: {  	_ =	shalt  }
0x77: {  	_ =	shalt  }
0x78: {  	_ =	shalt  }
0x79: {  	_ =	shalt  }
0x7a: {  	_ =	shalt  }
0x7b: {  	_ =	shalt  }
0x7c: {  	_ =	shalt  }
0x7d: {  	_ =	shalt  }
0x7e: {  	_ =	shalt  }
0x7f: {  	_ =	shalt  }
0x80: {  	_ =	shalt  }
0x81: {  	_ =	shalt  }
0x82: {  	_ =	shalt  }
0x83: {  	_ =	shalt  }
0x84: {  	_ =	shalt  }
0x85: {  	_ =	shalt  }
0x86: {  	_ =	shalt  }
0x87: {  	_ =	shalt  }
.Lfunc_end0:
.L_simem_size_0:
called_computation_lowered:
.L_overlay_start_0:
0x88: {  	s2 =	sld [smem:$0x3FD9]  }
0x89: {  	s3 =	sld [smem:$0x3FFE];
	_ =	sdelay $0x1  }
0x8a: {  	s1 =	srdreg.scid  }
0x8b: {  	s0 =	sand.u32 $0x1, s1  }
0x8c: {  	s14 =	sshll.u32 s0, $0xA;
	s2 =	sadd.s32 s3, s2  }
0x8d: {  	s2 =	sadd.s32 s2, s14  }
0x8e: {  	[smem:$0x3FC6] =	sst s2  }
0x8f: {  	_ = 	snop  }
0x90: {  	s2 =	sld [smem:$0x3FD0];
	_ =	sdelay $0x2  }
0x91: {  	s15 =	simm.s32 $0xA;
	s4 =	simm.s32 $0x10  }
0x92: {  	[smem:s4], [sflag:s15] =	dma.local [hbm:s2], $0x1  }
0x93: {  	_ =	swait.eq [sflag:s15], $0x1  }
0x94: {  	[sflag:s15] =	ssyncset.done $0x0  }
0x95: {  	[sflag:s15] =	ssyncadd.s32 $0xFFFFFFFF  }
0x96: {  	s16 =	sld [smem:$0x11];
	(tm) =	ssettm $0x1  }
0x97: {  	s17 =	sld [smem:$0x3FFB];
	_ =	sdelay $0x3  }
0x98: {  	_ =	strace s17  }
0x99: {  	s3 =	sld [smem:$0x3FFC];
	_ =	sdelay $0x3  }
0x9a: {  	_ =	strace s3  }
0x9b: {  	s3 =	sld [smem:$0x3FFD];
	_ =	sdelay $0x3  }
0x9c: {  	_ =	strace s3  }
0x9d: {  	_ =	strace $0x8FFFFFFF  }
0x9e: {  	s18 =	sld [smem:$0x3FDB];
	_ =	sdelay $0x1  }
0x9f: {  	s19 =	simm.s32 $_scs_section_size  }
0xa0: {  	s5 =	simm.s32 $_size__tile_overlayer_lowered;
	s6 =	simm.s32 $_tile_overlayer_lowered  }
0xa1: {  	s22 =	simm.s32 $0x1BFF;
	s21 =	sshll.u32 s6, $0x1;
	s3 =	sadd.s32 s19, s18  }
0xa2: {  	s7 =	simm.s32 $0x0;
	s20 =	sshll.u32 s5, $0x1;
	s5 =	sadd.s32 s21, s3  }
0xa3: {  	[timem:s7], [sflag:s22] =	dma.local [hbm:s5], s20  }
0xa4: {  	_ =	swait.ge [sflag:s22], s20  }
0xa5: {  	s4 =	ssub.s32 $0x0, s20;
	[sflag:s22] =	ssyncset.done $0x0  }
0xa6: {  	[sflag:s22] =	ssyncadd.s32 s4;
	_ =	sdelay $0x1  }
0xa7: {  	s23 =	simm.s32 $0x1B8B  }
0xa8: {  	_ =	swait.ge [sflag:s23], $0x1  }
0xa9: {  	[sflag:s23] =	ssyncset.done $0x0  }
0xaa: {  	s25 =	simm.s32 $0x1B8E;
	s24 =	sld [smem:$0x3FFE];
	[sflag:s23] =	ssyncadd.s32 $0xFFFFFFFF  }
0xab: {  	s26 =	simm.s32 $execute0_lowered;
	[smem:$0x3FD2] =	sst s25  }
0xac: {  	s5 =	sshll.u32 s26, $0x1;
	_ =	strace $0x80000046;
	[dreg:$0x1] =	wrdreg $0xFFFFFFFF  }
0xad: {  	s28 =	simm.s32 $_size_execute0_lowered;
	s3 =	sadd.s32 s3, s5;
	[dreg:$0x0] =	wrdreg $0x0  }
0xae: {  	s5 =	sshll.u32 s28, $0x1;
	[dreg:$0x2] =	wrdreg s3  }
0xaf: {  	[dreg:$0x3] =	wrdreg s5  }
0xb0: {  	[dreg:$0x4] =	wrdreg $0xC0  }
0xb1: {  	_ =	task [dreg:s7], $0x5FFFF  }
0xb2: {  	[dreg:$0x1] =	wrdreg $0xFFFFFFFF  }
0xb3: {  	[dreg:$0x0] =	wrdreg $0x60  }
0xb4: {  	[dreg:$0x2] =	wrdreg s16  }
0xb5: {  	[dreg:$0x3] =	wrdreg s24  }
0xb6: {  	[dreg:$0x4] =	wrdreg $0x9  }
0xb7: {  	_ =	task.clear_ibuf [dreg:s7], $0x5FFFF;
	_ =	strace $0x90000046  }
0xb8: {  	s29 =	simm.s32 $0x9;
	_ =	strace $0x80000048  }
0xb9: {  	_ =	swait.ge [sflag:s29], $0x1  }
0xba: {  	[sflag:s29] =	ssyncadd.s32 $0xFFFFFFFF  }
0xbb: {  	_ =	strace $0x90000048  }
0xbc: {  	_ =	sfence  }
0xbd: {  	s30 =	sld [smem:$0x0];
	_ =	sdelay $0x2  }
0xbe: {  	s31 =	sshll.u32 s1, $0xD;
	s1 =	sshrl.u32 s1, $0x2  }
0xbf: {  	s3 =	sand.u32 $0x4000, s31;
	s1 =	sadd.s32 s1, s30  }
0xc0: {  	s0 =	sor.u32 s3, s0;
	s1 =	sshll.u32 s1, $0x11  }
0xc1: {  	s0 =	sor.u32 s1, s0  }
0xc2: {  	s0 =	sadd.s32 $0x8F2B, s0  }
0xc3: {  	[sflag:s0] =	ssyncadd.remote.s32 $0x1  }
0xc4: {  	_ =	sfence.sel $0xFFFF  }
0xc5: {  	[dreg:$0x0] =	wrdreg $0xFFFFFFFF;
	(pc) =	sbr.abs _section_cstart, $3  }
0xc6: {  	[dreg:$0x1] =	wrdreg $0xFFFFFFFF  }
0xc7: {  	_ =	task.clear_ibuf [dreg:s7], $0x2FFFF;
	_ =	strace $0x9FFFFFFF  }
0xc8: {  	(tm) =	ssettm $0x7FFFFFFF  }
0xc9: {  	_ =	shalt  }
tec
execute0_lowered:
.L_overlay_start_1:
0x0: {  	(tag) =	ssettag $0x1  }
0x1: {  	s1 =	rddreg [dreg:$0x0]  }
0x2: {  	s0 =	rddreg [dreg:$0x1]  }
0x3: {  	s3 =	simm.s32 $0x0;
	s2 =	srdreg.scid;
	s4 =	stileid.u32  }
0x4: {  	s7 =	simm.s32 $0x2;
	s13 =	simm.s32 $0x2880;
	s14 =	simm.s32 $0x3080  }
0x5: {  	s15 =	simm.s32 $0x3880;
	s16 =	simm.s32 $0x4080;
	s17 =	simm.s32 $0x4880  }
0x6: {  	s18 =	simm.s32 $0x5080;
	s19 =	simm.s32 $0x5880;
	s20 =	simm.s32 $0x6080  }
0x7: {  	s21 =	simm.s32 $0x6880;
	s22 =	simm.s32 $0x7080;
	s23 =	simm.s32 $0x7880  }
0x8: {  	s24 =	simm.s32 $0x1;
	s25 =	simm.s32 $0x8080;
	s26 =	simm.s32 $0x0  }
0x9: {  	[smem:$0x7FF] =	sst s3;
	s2 =	sand.u32 $0x1, s2;
	s4 =	sshll.u32 s4, $0x1  }
0xa: {  	_ =	strace $0x80000047;
	s4 =	sor.u32 s2, s4;
	s2 =	ssub.s32 $0x2, s2  }
0xb: {  	v2 =	vlaneseq.u32;
	s5 =	sshll.u32 s4, $0x4;
	s4 =	sshll.u32 s4, $0xA;
	s31 =	sshrl.u32 s2, $0x1  }
0xc: {  	vm0 =	vmmov $0xffff;
	v1 =	vshrl.u32 v2, $0x3;
	s5 =	sadd.s32 s5, s0;
	s0 =	sadd.s32 s4, s0;
	s2 =	ssub.s32 s2, s31  }
0xd: {  	v0 =	vand.u32 $0x7, v2;
	v2 =	vor.u32 $0x8, v2;
	v1 =	vmul.u32 $0x8, v1;
	s4 =	sadd.s32 $0xC00, s5;
	s5 =	sadd.s32 $0xE00, s0;
	s6 =	smax.u32 s2, $0x1  }
.LBB2_1:
0xe: {  	[tilespmem:s3], [sflag:$0x2] =	stream.linear.gather [hbm4b:s4+s3], $0x80, $0x38;
	[tilespmem:$0xA080] =	vst v63  }
0xf: {  	_ =	swait.ge [sflag:s7], $0x80  }
0x10: {  	[sflag:s7] =	ssyncset.done $0x0  }
0x11: {  	[sflag:s7] =	ssyncadd.s32 $0xFFFFFF80  }
0x12: {  	v3 =	vld [tilespmem:$0x0];
	_ =	sdelay $0x4  }
0x13: {  	v4 =	vshll.u32 v3, $0x1  }
0x14: {  	v3 =	vand.u32 $0x7, v3;
	v4 =	vand.u32 $0xFFFFFFF0, v4  }
0x15: {  	v3 =	vor.u32 v3, v4  }
0x16: {  	v4 =	vperm.xlane v3, v0;
	_ =	sdelay $0x1  }
0x17: {  	v3 =	vperm.xlane v3, v2;
	v4 =	vadd.s32 v1, v4;
	_ =	sdelay $0x1  }
0x18: {  	v3 =	vadd.s32 v1, v3;
	_ =	sdelay $0x1  }
0x19: {  	s0 =	simm.s32 $0x80  }
0x1a: {  	[tilespmem:s0], [sflag:$0x1] =	stream.indirect_vreg.gather [hbm4b:s1+s3], $0x80, v4, vm0, $0xb8;
	[tilespmem:$0xA080] =	vst v63  }
0x1b: {  	s11 =	simm.s32 $0x880  }
0x1c: {  	[tilespmem:s11], [sflag:$0x1] =	stream.indirect_vreg.gather [hbm4b:s1+s3], $0x80, v3, vm0, $0xb8;
	[tilespmem:$0xA080] =	vst v63  }
0x1d: {  	v3 =	vld [tilespmem:$0x10];
	_ =	sdelay $0x4  }
0x1e: {  	v4 =	vshll.u32 v3, $0x1  }
0x1f: {  	v3 =	vand.u32 $0x7, v3;
	v4 =	vand.u32 $0xFFFFFFF0, v4  }
0x20: {  	v3 =	vor.u32 v3, v4  }
0x21: {  	v4 =	vperm.xlane v3, v0;
	_ =	sdelay $0x1  }
0x22: {  	v3 =	vperm.xlane v3, v2;
	v4 =	vadd.s32 v1, v4;
	_ =	sdelay $0x1  }
0x23: {  	v3 =	vadd.s32 v1, v3;
	_ =	sdelay $0x1  }
0x24: {  	s12 =	simm.s32 $0x1080  }
0x25: {  	[tilespmem:s12], [sflag:$0x1] =	stream.indirect_vreg.gather [hbm4b:s1+s3], $0x80, v4, vm0, $0xb8;
	[tilespmem:$0xA080] =	vst v63  }
0x26: {  	s2 =	simm.s32 $0x1880  }
0x27: {  	[tilespmem:s2], [sflag:$0x1] =	stream.indirect_vreg.gather [hbm4b:s1+s3], $0x80, v3, vm0, $0xb8;
	[tilespmem:$0xA080] =	vst v63  }
0x28: {  	v3 =	vld [tilespmem:$0x20];
	_ =	sdelay $0x4  }
0x29: {  	v4 =	vshll.u32 v3, $0x1  }
0x2a: {  	v3 =	vand.u32 $0x7, v3;
	v4 =	vand.u32 $0xFFFFFFF0, v4  }
0x2b: {  	v3 =	vor.u32 v3, v4  }
0x2c: {  	v4 =	vperm.xlane v3, v0;
	_ =	sdelay $0x1  }
0x2d: {  	v3 =	vperm.xlane v3, v2;
	v4 =	vadd.s32 v1, v4;
	_ =	sdelay $0x1  }
0x2e: {  	v3 =	vadd.s32 v1, v3;
	_ =	sdelay $0x1  }
0x2f: {  	s8 =	simm.s32 $0x2080  }
0x30: {  	[tilespmem:s8], [sflag:$0x1] =	stream.indirect_vreg.gather [hbm4b:s1+s3], $0x80, v4, vm0, $0xb8;
	[tilespmem:$0xA080] =	vst v63  }
0x31: {  	_ = 	snop  }
0x32: {  	[tilespmem:s13], [sflag:$0x1] =	stream.indirect_vreg.gather [hbm4b:s1+s3], $0x80, v3, vm0, $0xb8;
	[tilespmem:$0xA080] =	vst v63  }
0x33: {  	v3 =	vld [tilespmem:$0x30];
	_ =	sdelay $0x4  }
0x34: {  	v4 =	vshll.u32 v3, $0x1  }
0x35: {  	v3 =	vand.u32 $0x7, v3;
	v4 =	vand.u32 $0xFFFFFFF0, v4  }
0x36: {  	v3 =	vor.u32 v3, v4  }
0x37: {  	v4 =	vperm.xlane v3, v0;
	_ =	sdelay $0x1  }
0x38: {  	v3 =	vperm.xlane v3, v2;
	v4 =	vadd.s32 v1, v4;
	_ =	sdelay $0x1  }
0x39: {  	v3 =	vadd.s32 v1, v3;
	_ =	sdelay $0x2  }
0x3a: {  	[tilespmem:s14], [sflag:$0x1] =	stream.indirect_vreg.gather [hbm4b:s1+s3], $0x80, v4, vm0, $0xb8;
	[tilespmem:$0xA080] =	vst v63  }
0x3b: {  	_ = 	snop  }
0x3c: {  	[tilespmem:s15], [sflag:$0x1] =	stream.indirect_vreg.gather [hbm4b:s1+s3], $0x80, v3, vm0, $0xb8;
	[tilespmem:$0xA080] =	vst v63  }
0x3d: {  	v3 =	vld [tilespmem:$0x40];
	_ =	sdelay $0x4  }
0x3e: {  	v4 =	vshll.u32 v3, $0x1  }
0x3f: {  	v3 =	vand.u32 $0x7, v3;
	v4 =	vand.u32 $0xFFFFFFF0, v4  }
0x40: {  	v3 =	vor.u32 v3, v4  }
0x41: {  	v4 =	vperm.xlane v3, v0;
	_ =	sdelay $0x1  }
0x42: {  	v3 =	vperm.xlane v3, v2;
	v4 =	vadd.s32 v1, v4;
	_ =	sdelay $0x1  }
0x43: {  	v3 =	vadd.s32 v1, v3;
	_ =	sdelay $0x2  }
0x44: {  	[tilespmem:s16], [sflag:$0x1] =	stream.indirect_vreg.gather [hbm4b:s1+s3], $0x80, v4, vm0, $0xb8;
	[tilespmem:$0xA080] =	vst v63  }
0x45: {  	_ = 	snop  }
0x46: {  	[tilespmem:s17], [sflag:$0x1] =	stream.indirect_vreg.gather [hbm4b:s1+s3], $0x80, v3, vm0, $0xb8;
	[tilespmem:$0xA080] =	vst v63  }
0x47: {  	v3 =	vld [tilespmem:$0x50];
	_ =	sdelay $0x4  }
0x48: {  	v4 =	vshll.u32 v3, $0x1  }
0x49: {  	v3 =	vand.u32 $0x7, v3;
	v4 =	vand.u32 $0xFFFFFFF0, v4  }
0x4a: {  	v3 =	vor.u32 v3, v4  }
0x4b: {  	v4 =	vperm.xlane v3, v0;
	_ =	sdelay $0x1  }
0x4c: {  	v3 =	vperm.xlane v3, v2;
	v4 =	vadd.s32 v1, v4;
	_ =	sdelay $0x1  }
0x4d: {  	v3 =	vadd.s32 v1, v3;
	_ =	sdelay $0x2  }
0x4e: {  	[tilespmem:s18], [sflag:$0x1] =	stream.indirect_vreg.gather [hbm4b:s1+s3], $0x80, v4, vm0, $0xb8;
	[tilespmem:$0xA080] =	vst v63  }
0x4f: {  	_ = 	snop  }
0x50: {  	[tilespmem:s19], [sflag:$0x1] =	stream.indirect_vreg.gather [hbm4b:s1+s3], $0x80, v3, vm0, $0xb8;
	[tilespmem:$0xA080] =	vst v63  }
0x51: {  	v3 =	vld [tilespmem:$0x60];
	_ =	sdelay $0x4  }
0x52: {  	v4 =	vshll.u32 v3, $0x1  }
0x53: {  	v3 =	vand.u32 $0x7, v3;
	v4 =	vand.u32 $0xFFFFFFF0, v4  }
0x54: {  	v3 =	vor.u32 v3, v4  }
0x55: {  	v4 =	vperm.xlane v3, v0;
	_ =	sdelay $0x1  }
0x56: {  	v3 =	vperm.xlane v3, v2;
	v4 =	vadd.s32 v1, v4;
	_ =	sdelay $0x1  }
0x57: {  	v3 =	vadd.s32 v1, v3;
	_ =	sdelay $0x2  }
0x58: {  	[tilespmem:s20], [sflag:$0x1] =	stream.indirect_vreg.gather [hbm4b:s1+s3], $0x80, v4, vm0, $0xb8;
	[tilespmem:$0xA080] =	vst v63  }
0x59: {  	_ = 	snop  }
0x5a: {  	[tilespmem:s21], [sflag:$0x1] =	stream.indirect_vreg.gather [hbm4b:s1+s3], $0x80, v3, vm0, $0xb8;
	[tilespmem:$0xA080] =	vst v63  }
0x5b: {  	v3 =	vld [tilespmem:$0x70];
	_ =	sdelay $0x4  }
0x5c: {  	v4 =	vshll.u32 v3, $0x1  }
0x5d: {  	v3 =	vand.u32 $0x7, v3;
	v4 =	vand.u32 $0xFFFFFFF0, v4  }
0x5e: {  	v3 =	vor.u32 v3, v4  }
0x5f: {  	v4 =	vperm.xlane v3, v0;
	_ =	sdelay $0x1  }
0x60: {  	v3 =	vperm.xlane v3, v2;
	v4 =	vadd.s32 v1, v4;
	_ =	sdelay $0x1  }
0x61: {  	v3 =	vadd.s32 v1, v3;
	_ =	sdelay $0x2  }
0x62: {  	[tilespmem:s22], [sflag:$0x1] =	stream.indirect_vreg.gather [hbm4b:s1+s3], $0x80, v4, vm0, $0xb8;
	[tilespmem:$0xA080] =	vst v63  }
0x63: {  	_ = 	snop  }
0x64: {  	[tilespmem:s23], [sflag:$0x1] =	stream.indirect_vreg.gather [hbm4b:s1+s3], $0x80, v3, vm0, $0xb8;
	[tilespmem:$0xA080] =	vst v63  }
0x65: {  	_ =	swait.ge [sflag:s24], $0x8000  }
0x66: {  	s9 =	sand.u32 $0x7800, s3;
	s2 =	sand.u32 $0x200, s3;
	[sflag:s24] =	ssyncset.done $0x0  }
0x67: {  	s0 =	sor.u32 s2, s9;
	[sflag:s24] =	ssyncadd.s32 $0xFFFF8000  }
0x68: {  	v3 =	vld [tilespmem:s0+$0x80]  }
0x69: {  	v4 =	vld [tilespmem:s0+$0x100];
	_ =	sdelay $0x1  }
0x6a: {  	v5 =	vld [tilespmem:s0+$0x180];
	_ =	sdelay $0x1  }
0x6b: {  	v6 =	vld [tilespmem:s0+$0x200]  }
0x6c: {  	v3 =	vadd.f32 v4, v3;
	_ =	sdelay $0x1  }
0x6d: {  	v3 =	vadd.f32 v5, v3;
	_ =	sdelay $0x1  }
0x6e: {  	s10 =	sand.u32 $0x1800, s3;
	s8 =	sand.u32 $0x380, s3;
	v3 =	vadd.f32 v6, v3  }
0x6f: {  	s28 =	sor.u32 s8, s10  }
0x70: {  	[tilespmem:s28+$0x8080] =	vst v3  }
0x71: {  	v3 =	vld [tilespmem:s0+$0x90]  }
0x72: {  	v4 =	vld [tilespmem:s0+$0x110];
	_ =	sdelay $0x1  }
0x73: {  	v5 =	vld [tilespmem:s0+$0x190];
	_ =	sdelay $0x1  }
0x74: {  	v6 =	vld [tilespmem:s0+$0x210]  }
0x75: {  	v3 =	vadd.f32 v4, v3;
	_ =	sdelay $0x1  }
0x76: {  	v3 =	vadd.f32 v5, v3;
	_ =	sdelay $0x1  }
0x77: {  	v3 =	vadd.f32 v6, v3;
	_ =	sdelay $0x1  }
0x78: {  	[tilespmem:s28+$0x8090] =	vst v3  }
0x79: {  	v3 =	vld [tilespmem:s0+$0xA0]  }
0x7a: {  	v4 =	vld [tilespmem:s0+$0x120];
	_ =	sdelay $0x1  }
0x7b: {  	v5 =	vld [tilespmem:s0+$0x1A0];
	_ =	sdelay $0x1  }
0x7c: {  	v6 =	vld [tilespmem:s0+$0x220]  }
0x7d: {  	v3 =	vadd.f32 v4, v3;
	_ =	sdelay $0x1  }
0x7e: {  	v3 =	vadd.f32 v5, v3;
	_ =	sdelay $0x1  }
0x7f: {  	v3 =	vadd.f32 v6, v3;
	_ =	sdelay $0x1  }
0x80: {  	[tilespmem:s28+$0x80A0] =	vst v3  }
0x81: {  	v3 =	vld [tilespmem:s0+$0xB0]  }
0x82: {  	v4 =	vld [tilespmem:s0+$0x130];
	_ =	sdelay $0x1  }
0x83: {  	v5 =	vld [tilespmem:s0+$0x1B0];
	_ =	sdelay $0x1  }
0x84: {  	v6 =	vld [tilespmem:s0+$0x230]  }
0x85: {  	v3 =	vadd.f32 v4, v3;
	_ =	sdelay $0x1  }
0x86: {  	v3 =	vadd.f32 v5, v3;
	_ =	sdelay $0x1  }
0x87: {  	v3 =	vadd.f32 v6, v3;
	_ =	sdelay $0x1  }
0x88: {  	[tilespmem:s28+$0x80B0] =	vst v3  }
0x89: {  	v3 =	vld [tilespmem:s0+$0xC0]  }
0x8a: {  	v4 =	vld [tilespmem:s0+$0x140];
	_ =	sdelay $0x1  }
0x8b: {  	v5 =	vld [tilespmem:s0+$0x1C0];
	_ =	sdelay $0x1  }
0x8c: {  	v6 =	vld [tilespmem:s0+$0x240]  }
0x8d: {  	v3 =	vadd.f32 v4, v3;
	_ =	sdelay $0x1  }
0x8e: {  	v3 =	vadd.f32 v5, v3;
	_ =	sdelay $0x1  }
0x8f: {  	v3 =	vadd.f32 v6, v3;
	_ =	sdelay $0x1  }
0x90: {  	[tilespmem:s28+$0x80C0] =	vst v3  }
0x91: {  	v3 =	vld [tilespmem:s0+$0xD0]  }
0x92: {  	v4 =	vld [tilespmem:s0+$0x150];
	_ =	sdelay $0x1  }
0x93: {  	v5 =	vld [tilespmem:s0+$0x1D0];
	_ =	sdelay $0x1  }
0x94: {  	v6 =	vld [tilespmem:s0+$0x250]  }
0x95: {  	v3 =	vadd.f32 v4, v3;
	_ =	sdelay $0x1  }
0x96: {  	v3 =	vadd.f32 v5, v3;
	_ =	sdelay $0x1  }
0x97: {  	v3 =	vadd.f32 v6, v3;
	_ =	sdelay $0x1  }
0x98: {  	[tilespmem:s28+$0x80D0] =	vst v3  }
0x99: {  	v3 =	vld [tilespmem:s0+$0xE0]  }
0x9a: {  	v4 =	vld [tilespmem:s0+$0x160];
	_ =	sdelay $0x1  }
0x9b: {  	v5 =	vld [tilespmem:s0+$0x1E0];
	_ =	sdelay $0x1  }
0x9c: {  	v6 =	vld [tilespmem:s0+$0x260]  }
0x9d: {  	v3 =	vadd.f32 v4, v3;
	_ =	sdelay $0x1  }
0x9e: {  	v3 =	vadd.f32 v5, v3;
	_ =	sdelay $0x1  }
0x9f: {  	v3 =	vadd.f32 v6, v3;
	_ =	sdelay $0x1  }
0xa0: {  	[tilespmem:s28+$0x80E0] =	vst v3  }
0xa1: {  	v3 =	vld [tilespmem:s0+$0xF0]  }
0xa2: {  	v4 =	vld [tilespmem:s0+$0x170];
	_ =	sdelay $0x1  }
0xa3: {  	v5 =	vld [tilespmem:s0+$0x1F0];
	_ =	sdelay $0x1  }
0xa4: {  	v6 =	vld [tilespmem:s0+$0x270]  }
0xa5: {  	v3 =	vadd.f32 v4, v3;
	_ =	sdelay $0x1  }
0xa6: {  	p0 =	por $0x0, $0x0;
	s0 =	simm.s32 $0x1;
	v3 =	vadd.f32 v5, v3  }
0xa7: {  	s0 =	simm.s32 @!p0 $0x0  }
0xa8: {  	s0 =	sshll.u32 s0, $0x9;
	v3 =	vadd.f32 v6, v3  }
0xa9: {  	s2 =	sadd.s32 $0x0, s0  }
0xaa: {  	s0 =	sor.u32 $0x400, s2;
	s9 =	sadd.s32 $0x80, s2;
	[tilespmem:s28+$0x80F0] =	vst v3  }
0xab: {  	s11 =	sor.u32 $0x400, s9;
	v3 =	vld [tilespmem:s0+$0x80]  }
0xac: {  	s8 =	sadd.s32 $0x100, s2;
	v4 =	vld [tilespmem:s11+$0x80]  }
0xad: {  	s12 =	sor.u32 $0x400, s8  }
0xae: {  	s10 =	sadd.s32 $0x180, s2;
	v5 =	vld [tilespmem:s12+$0x80]  }
0xaf: {  	s11 =	sor.u32 $0x400, s10  }
0xb0: {  	v6 =	vld [tilespmem:s11+$0x80]  }
0xb1: {  	v3 =	vadd.f32 v4, v3;
	_ =	sdelay $0x1  }
0xb2: {  	v3 =	vadd.f32 v5, v3;
	_ =	sdelay $0x1  }
0xb3: {  	v3 =	vadd.f32 v6, v3;
	_ =	sdelay $0x1  }
0xb4: {  	s12 =	sor.u32 $0x410, s2;
	[tilespmem:s28+$0x8480] =	vst v3  }
0xb5: {  	s11 =	sor.u32 $0x410, s9;
	v3 =	vld [tilespmem:s12+$0x80]  }
0xb6: {  	v4 =	vld [tilespmem:s11+$0x80]  }
0xb7: {  	s12 =	sor.u32 $0x410, s8  }
0xb8: {  	v5 =	vld [tilespmem:s12+$0x80]  }
0xb9: {  	s11 =	sor.u32 $0x410, s10  }
0xba: {  	v6 =	vld [tilespmem:s11+$0x80]  }
0xbb: {  	v3 =	vadd.f32 v4, v3;
	_ =	sdelay $0x1  }
0xbc: {  	v3 =	vadd.f32 v5, v3;
	_ =	sdelay $0x1  }
0xbd: {  	v3 =	vadd.f32 v6, v3;
	_ =	sdelay $0x1  }
0xbe: {  	s12 =	sor.u32 $0x420, s2;
	[tilespmem:s28+$0x8490] =	vst v3  }
0xbf: {  	s11 =	sor.u32 $0x420, s9;
	v3 =	vld [tilespmem:s12+$0x80]  }
0xc0: {  	v4 =	vld [tilespmem:s11+$0x80]  }
0xc1: {  	s12 =	sor.u32 $0x420, s8  }
0xc2: {  	v5 =	vld [tilespmem:s12+$0x80]  }
0xc3: {  	s11 =	sor.u32 $0x420, s10  }
0xc4: {  	v6 =	vld [tilespmem:s11+$0x80]  }
0xc5: {  	v3 =	vadd.f32 v4, v3;
	_ =	sdelay $0x1  }
0xc6: {  	v3 =	vadd.f32 v5, v3;
	_ =	sdelay $0x1  }
0xc7: {  	v3 =	vadd.f32 v6, v3;
	_ =	sdelay $0x1  }
0xc8: {  	s12 =	sor.u32 $0x430, s2;
	[tilespmem:s28+$0x84A0] =	vst v3  }
0xc9: {  	s11 =	sor.u32 $0x430, s9;
	v3 =	vld [tilespmem:s12+$0x80]  }
0xca: {  	v4 =	vld [tilespmem:s11+$0x80]  }
0xcb: {  	s12 =	sor.u32 $0x430, s8  }
0xcc: {  	v5 =	vld [tilespmem:s12+$0x80]  }
0xcd: {  	s11 =	sor.u32 $0x430, s10  }
0xce: {  	v6 =	vld [tilespmem:s11+$0x80]  }
0xcf: {  	v3 =	vadd.f32 v4, v3;
	_ =	sdelay $0x1  }
0xd0: {  	v3 =	vadd.f32 v5, v3;
	_ =	sdelay $0x1  }
0xd1: {  	v3 =	vadd.f32 v6, v3;
	_ =	sdelay $0x1  }
0xd2: {  	s12 =	sor.u32 $0x440, s2;
	[tilespmem:s28+$0x84B0] =	vst v3  }
0xd3: {  	s11 =	sor.u32 $0x440, s9;
	v3 =	vld [tilespmem:s12+$0x80]  }
0xd4: {  	v4 =	vld [tilespmem:s11+$0x80]  }
0xd5: {  	s12 =	sor.u32 $0x440, s8  }
0xd6: {  	v5 =	vld [tilespmem:s12+$0x80]  }
0xd7: {  	s11 =	sor.u32 $0x440, s10  }
0xd8: {  	v6 =	vld [tilespmem:s11+$0x80]  }
0xd9: {  	v3 =	vadd.f32 v4, v3;
	_ =	sdelay $0x1  }
0xda: {  	v3 =	vadd.f32 v5, v3;
	_ =	sdelay $0x1  }
0xdb: {  	v3 =	vadd.f32 v6, v3;
	_ =	sdelay $0x1  }
0xdc: {  	s12 =	sor.u32 $0x450, s9;
	[tilespmem:s28+$0x84C0] =	vst v3  }
0xdd: {  	s11 =	sor.u32 $0x450, s2;
	v3 =	vld [tilespmem:s12+$0x80]  }
0xde: {  	v4 =	vld [tilespmem:s11+$0x80]  }
0xdf: {  	s12 =	sor.u32 $0x450, s8  }
0xe0: {  	v5 =	vld [tilespmem:s12+$0x80]  }
0xe1: {  	s11 =	sor.u32 $0x450, s10  }
0xe2: {  	v6 =	vld [tilespmem:s11+$0x80]  }
0xe3: {  	v3 =	vadd.f32 v3, v4;
	_ =	sdelay $0x1  }
0xe4: {  	v3 =	vadd.f32 v5, v3;
	_ =	sdelay $0x1  }
0xe5: {  	v3 =	vadd.f32 v6, v3;
	_ =	sdelay $0x1  }
0xe6: {  	s12 =	sor.u32 $0x460, s2;
	[tilespmem:s28+$0x84D0] =	vst v3  }
0xe7: {  	s11 =	sor.u32 $0x460, s9;
	v3 =	vld [tilespmem:s12+$0x80]  }
0xe8: {  	s29 =	simm.s32 $0x400;
	s30 =	simm.s32 $0x200;
	v4 =	vld [tilespmem:s11+$0x80];
	s12 =	sor.u32 $0x460, s8  }
0xe9: {  	s31 =	simm.s32 $0x0;
	s0 =	simm.s32 $0x0;
	s11 =	sor.u32 $0x460, s10;
	v5 =	vld [tilespmem:s12+$0x80]  }
.LBB2_2:
0xea: {  	v6 =	vld [tilespmem:s11+$0x80];
	s31 =	sadd.s32 $0x80, s31;
	s0 =	sadd.s32 $0x100, s0;
	p0 =	por !p0, !p0  }
0xeb: {  	p1 =	sne.s32 s29, $0x7C00;
	s11 =	smov.u32 s29;
	s29 =	sadd.s32 $0x400, s29  }
0xec: {  	_ = 	snop  }
0xed: {  	v3 =	vadd.f32 v4, v3;
	_ =	sdelay $0x1  }
0xee: {  	v3 =	vadd.f32 v5, v3;
	_ =	sdelay $0x1  }
0xef: {  	v3 =	vadd.f32 v6, v3;
	_ =	sdelay $0x1  }
0xf0: {  	s2 =	sor.u32 $0x470, s2;
	[tilespmem:s28+$0x84E0] =	vst v3  }
0xf1: {  	v3 =	vld [tilespmem:s2+$0x80];
	s2 =	sor.u32 $0x470, s9  }
0xf2: {  	v4 =	vld [tilespmem:s2+$0x80];
	s2 =	sor.u32 $0x470, s8  }
0xf3: {  	v5 =	vld [tilespmem:s2+$0x80];
	s2 =	sor.u32 $0x470, s10  }
0xf4: {  	v6 =	vld [tilespmem:s2+$0x80];
	_ =	sdelay $0x1  }
0xf5: {  	s8 =	sand.u32 $0x200, s30;
	s2 =	sand.u32 $0x7800, s11  }
0xf6: {  	s2 =	sor.u32 s8, s2;
	v3 =	vadd.f32 v4, v3;
	_ =	sdelay $0x1  }
0xf7: {  	v3 =	vadd.f32 v5, v3;
	_ =	sdelay $0x1  }
0xf8: {  	v3 =	vadd.f32 v6, v3;
	_ =	sdelay $0x1  }
0xf9: {  	[tilespmem:s28+$0x84F0] =	vst v3  }
0xfa: {  	v3 =	vld [tilespmem:s2+$0x80]  }
0xfb: {  	v4 =	vld [tilespmem:s2+$0x100];
	_ =	sdelay $0x1  }
0xfc: {  	v5 =	vld [tilespmem:s2+$0x180]  }
0xfd: {  	v6 =	vld [tilespmem:s2+$0x200];
	_ =	sdelay $0x1  }
0xfe: {  	v3 =	vadd.f32 v4, v3;
	_ =	sdelay $0x1  }
0xff: {  	v3 =	vadd.f32 v5, v3;
	_ =	sdelay $0x1  }
0x100: {  	s9 =	sand.u32 $0x380, s31;
	s8 =	sand.u32 $0x1800, s0;
	v3 =	vadd.f32 v6, v3  }
0x101: {  	s28 =	sor.u32 s9, s8  }
0x102: {  	[tilespmem:s28+$0x8080] =	vst v3  }
0x103: {  	v3 =	vld [tilespmem:s2+$0x90]  }
0x104: {  	v4 =	vld [tilespmem:s2+$0x110];
	_ =	sdelay $0x1  }
0x105: {  	v5 =	vld [tilespmem:s2+$0x190];
	_ =	sdelay $0x1  }
0x106: {  	v6 =	vld [tilespmem:s2+$0x210]  }
0x107: {  	v3 =	vadd.f32 v4, v3;
	_ =	sdelay $0x1  }
0x108: {  	v3 =	vadd.f32 v5, v3;
	_ =	sdelay $0x1  }
0x109: {  	v3 =	vadd.f32 v6, v3;
	_ =	sdelay $0x1  }
0x10a: {  	[tilespmem:s28+$0x8090] =	vst v3  }
0x10b: {  	v3 =	vld [tilespmem:s2+$0xA0]  }
0x10c: {  	v4 =	vld [tilespmem:s2+$0x120];
	_ =	sdelay $0x1  }
0x10d: {  	v5 =	vld [tilespmem:s2+$0x1A0];
	_ =	sdelay $0x1  }
0x10e: {  	v6 =	vld [tilespmem:s2+$0x220]  }
0x10f: {  	v3 =	vadd.f32 v4, v3;
	_ =	sdelay $0x1  }
0x110: {  	v3 =	vadd.f32 v5, v3;
	_ =	sdelay $0x1  }
0x111: {  	v3 =	vadd.f32 v6, v3;
	_ =	sdelay $0x1  }
0x112: {  	[tilespmem:s28+$0x80A0] =	vst v3  }
0x113: {  	v3 =	vld [tilespmem:s2+$0xB0]  }
0x114: {  	v4 =	vld [tilespmem:s2+$0x130];
	_ =	sdelay $0x1  }
0x115: {  	v5 =	vld [tilespmem:s2+$0x1B0];
	_ =	sdelay $0x1  }
0x116: {  	v6 =	vld [tilespmem:s2+$0x230]  }
0x117: {  	v3 =	vadd.f32 v4, v3;
	_ =	sdelay $0x1  }
0x118: {  	v3 =	vadd.f32 v5, v3;
	_ =	sdelay $0x1  }
0x119: {  	v3 =	vadd.f32 v6, v3;
	_ =	sdelay $0x1  }
0x11a: {  	[tilespmem:s28+$0x80B0] =	vst v3  }
0x11b: {  	v3 =	vld [tilespmem:s2+$0xC0]  }
0x11c: {  	v4 =	vld [tilespmem:s2+$0x140];
	_ =	sdelay $0x1  }
0x11d: {  	v5 =	vld [tilespmem:s2+$0x1C0];
	_ =	sdelay $0x1  }
0x11e: {  	v6 =	vld [tilespmem:s2+$0x240]  }
0x11f: {  	v3 =	vadd.f32 v4, v3;
	_ =	sdelay $0x1  }
0x120: {  	v3 =	vadd.f32 v5, v3;
	_ =	sdelay $0x1  }
0x121: {  	v3 =	vadd.f32 v6, v3;
	_ =	sdelay $0x1  }
0x122: {  	[tilespmem:s28+$0x80C0] =	vst v3  }
0x123: {  	v3 =	vld [tilespmem:s2+$0xD0]  }
0x124: {  	v4 =	vld [tilespmem:s2+$0x150]  }
0x125: {  	v5 =	vld [tilespmem:s2+$0x1D0];
	_ =	sdelay $0x2  }
0x126: {  	v6 =	vld [tilespmem:s2+$0x250]  }
0x127: {  	v3 =	vadd.f32 v4, v3;
	_ =	sdelay $0x1  }
0x128: {  	v3 =	vadd.f32 v5, v3;
	_ =	sdelay $0x1  }
0x129: {  	v3 =	vadd.f32 v6, v3;
	_ =	sdelay $0x1  }
0x12a: {  	[tilespmem:s28+$0x80D0] =	vst v3  }
0x12b: {  	v3 =	vld [tilespmem:s2+$0xE0]  }
0x12c: {  	v4 =	vld [tilespmem:s2+$0x160]  }
0x12d: {  	v5 =	vld [tilespmem:s2+$0x1E0];
	_ =	sdelay $0x2  }
0x12e: {  	v6 =	vld [tilespmem:s2+$0x260]  }
0x12f: {  	v3 =	vadd.f32 v4, v3;
	_ =	sdelay $0x1  }
0x130: {  	v3 =	vadd.f32 v5, v3;
	_ =	sdelay $0x1  }
0x131: {  	v3 =	vadd.f32 v6, v3;
	_ =	sdelay $0x1  }
0x132: {  	[tilespmem:s28+$0x80E0] =	vst v3  }
0x133: {  	v3 =	vld [tilespmem:s2+$0xF0]  }
0x134: {  	v4 =	vld [tilespmem:s2+$0x170]  }
0x135: {  	v5 =	vld [tilespmem:s2+$0x270]  }
0x136: {  	v6 =	vld [tilespmem:s2+$0x1F0];
	_ =	sdelay $0x2  }
0x137: {  	v3 =	vadd.f32 v4, v3;
	_ =	sdelay $0x1  }
0x138: {  	s2 =	simm.s32 $0x1;
	v3 =	vadd.f32 v6, v3  }
0x139: {  	s2 =	simm.s32 @!p0 $0x0  }
0x13a: {  	s2 =	sshll.u32 s2, $0x9;
	v3 =	vadd.f32 v5, v3  }
0x13b: {  	s2 =	sadd.s32 s2, s11  }
0x13c: {  	s10 =	sor.u32 $0x400, s2;
	s9 =	sadd.s32 $0x80, s2;
	s8 =	sadd.s32 $0x100, s2;
	[tilespmem:s28+$0x80F0] =	vst v3  }
0x13d: {  	s11 =	sor.u32 $0x400, s9;
	v3 =	vld [tilespmem:s10+$0x80];
	s10 =	sadd.s32 $0x180, s2  }
0x13e: {  	v4 =	vld [tilespmem:s11+$0x80];
	s11 =	sor.u32 $0x400, s8  }
0x13f: {  	v5 =	vld [tilespmem:s11+$0x80];
	_ =	sdelay $0x1  }
0x140: {  	s11 =	sor.u32 $0x400, s10  }
0x141: {  	v6 =	vld [tilespmem:s11+$0x80]  }
0x142: {  	v3 =	vadd.f32 v4, v3;
	_ =	sdelay $0x1  }
0x143: {  	v3 =	vadd.f32 v5, v3;
	_ =	sdelay $0x1  }
0x144: {  	v3 =	vadd.f32 v6, v3;
	_ =	sdelay $0x1  }
0x145: {  	s11 =	sor.u32 $0x410, s2;
	[tilespmem:s28+$0x8480] =	vst v3  }
0x146: {  	v3 =	vld [tilespmem:s11+$0x80];
	s11 =	sor.u32 $0x410, s9  }
0x147: {  	v4 =	vld [tilespmem:s11+$0x80];
	s11 =	sor.u32 $0x410, s8  }
0x148: {  	v5 =	vld [tilespmem:s11+$0x80];
	s11 =	sor.u32 $0x410, s10  }
0x149: {  	v6 =	vld [tilespmem:s11+$0x80];
	_ =	sdelay $0x2  }
0x14a: {  	v3 =	vadd.f32 v4, v3;
	_ =	sdelay $0x1  }
0x14b: {  	v3 =	vadd.f32 v5, v3;
	_ =	sdelay $0x1  }
0x14c: {  	v3 =	vadd.f32 v6, v3;
	_ =	sdelay $0x1  }
0x14d: {  	s11 =	sor.u32 $0x420, s2;
	[tilespmem:s28+$0x8490] =	vst v3  }
0x14e: {  	v3 =	vld [tilespmem:s11+$0x80];
	s11 =	sor.u32 $0x420, s9  }
0x14f: {  	v4 =	vld [tilespmem:s11+$0x80];
	s11 =	sor.u32 $0x420, s10  }
0x150: {  	s12 =	sor.u32 $0x420, s8;
	v5 =	vld [tilespmem:s11+$0x80]  }
0x151: {  	v6 =	vld [tilespmem:s12+$0x80];
	_ =	sdelay $0x2  }
0x152: {  	v3 =	vadd.f32 v4, v3;
	_ =	sdelay $0x1  }
0x153: {  	v3 =	vadd.f32 v6, v3;
	_ =	sdelay $0x1  }
0x154: {  	v3 =	vadd.f32 v5, v3;
	_ =	sdelay $0x1  }
0x155: {  	s11 =	sor.u32 $0x430, s2;
	[tilespmem:s28+$0x84A0] =	vst v3  }
0x156: {  	v3 =	vld [tilespmem:s11+$0x80];
	s11 =	sor.u32 $0x430, s9  }
0x157: {  	v4 =	vld [tilespmem:s11+$0x80];
	s11 =	sor.u32 $0x430, s8  }
0x158: {  	v5 =	vld [tilespmem:s11+$0x80];
	s11 =	sor.u32 $0x430, s10  }
0x159: {  	v6 =	vld [tilespmem:s11+$0x80];
	_ =	sdelay $0x2  }
0x15a: {  	v3 =	vadd.f32 v4, v3;
	_ =	sdelay $0x1  }
0x15b: {  	v3 =	vadd.f32 v5, v3;
	_ =	sdelay $0x1  }
0x15c: {  	v3 =	vadd.f32 v6, v3;
	_ =	sdelay $0x1  }
0x15d: {  	s11 =	sor.u32 $0x440, s2;
	[tilespmem:s28+$0x84B0] =	vst v3  }
0x15e: {  	v3 =	vld [tilespmem:s11+$0x80];
	s11 =	sor.u32 $0x440, s9  }
0x15f: {  	v4 =	vld [tilespmem:s11+$0x80];
	s11 =	sor.u32 $0x440, s8  }
0x160: {  	v5 =	vld [tilespmem:s11+$0x80];
	s11 =	sor.u32 $0x440, s10  }
0x161: {  	v6 =	vld [tilespmem:s11+$0x80];
	_ =	sdelay $0x2  }
0x162: {  	v3 =	vadd.f32 v4, v3;
	_ =	sdelay $0x1  }
0x163: {  	v3 =	vadd.f32 v5, v3;
	_ =	sdelay $0x1  }
0x164: {  	v3 =	vadd.f32 v6, v3;
	_ =	sdelay $0x1  }
0x165: {  	s11 =	sor.u32 $0x450, s9;
	[tilespmem:s28+$0x84C0] =	vst v3  }
0x166: {  	s12 =	sor.u32 $0x450, s2;
	v3 =	vld [tilespmem:s11+$0x80]  }
0x167: {  	s11 =	sor.u32 $0x450, s8;
	v4 =	vld [tilespmem:s12+$0x80]  }
0x168: {  	v5 =	vld [tilespmem:s11+$0x80];
	s11 =	sor.u32 $0x450, s10  }
0x169: {  	v6 =	vld [tilespmem:s11+$0x80];
	_ =	sdelay $0x2  }
0x16a: {  	v3 =	vadd.f32 v3, v4;
	_ =	sdelay $0x1  }
0x16b: {  	v3 =	vadd.f32 v5, v3;
	_ =	sdelay $0x1  }
0x16c: {  	v3 =	vadd.f32 v6, v3  }
.Ltmp0:
0x16d: {  	(pc) =	sbr.rel @p1 .LBB2_2-.Ltmp0, $4  }
0x16e: {  	s11 =	sor.u32 $0x460, s2;
	[tilespmem:s28+$0x84D0] =	vst v3  }
0x16f: {  	v3 =	vld [tilespmem:s11+$0x80];
	s11 =	sor.u32 $0x460, s9  }
0x170: {  	v4 =	vld [tilespmem:s11+$0x80];
	s11 =	sor.u32 $0x460, s8  }
0x171: {  	s30 =	sadd.s32 $0x200, s30;
	v5 =	vld [tilespmem:s11+$0x80];
	s11 =	sor.u32 $0x460, s10  }
0x172: {  	_ =	sdelay $0x1  }
0x173: {  	v6 =	vld [tilespmem:s11+$0x80]  }
0x174: {  	v3 =	vadd.f32 v4, v3;
	_ =	sdelay $0x1  }
0x175: {  	v3 =	vadd.f32 v5, v3;
	_ =	sdelay $0x1  }
0x176: {  	v3 =	vadd.f32 v6, v3;
	_ =	sdelay $0x1  }
0x177: {  	s0 =	sor.u32 $0x470, s2;
	[tilespmem:s28+$0x84E0] =	vst v3  }
0x178: {  	s29 =	sor.u32 $0x470, s9;
	v3 =	vld [tilespmem:s0+$0x80]  }
0x179: {  	v61 =	vld [tilespmem:s29+$0x80]  }
0x17a: {  	s30 =	sor.u32 $0x470, s8  }
0x17b: {  	v62 =	vld [tilespmem:s30+$0x80]  }
0x17c: {  	s31 =	sor.u32 $0x470, s10  }
0x17d: {  	v63 =	vld [tilespmem:s31+$0x80]  }
0x17e: {  	v3 =	vadd.f32 v61, v3;
	_ =	sdelay $0x1  }
0x17f: {  	v3 =	vadd.f32 v62, v3;
	_ =	sdelay $0x1  }
0x180: {  	s26 =	sadd.s32 $0x1, s26;
	v3 =	vadd.f32 v63, v3  }
0x181: {  	p0 =	sne.s32 s26, s6  }
.Ltmp1:
0x182: {  	[tilespmem:s28+$0x84F0] =	vst v3;
	(pc) =	sbr.rel @p0 .LBB2_1-.Ltmp1, $4  }
0x183: {  	[hbm4b:s5+s3] =	stream.linear.scatter [tilespmem:s25], [sflag:$0x2], $0x2000, $0x38;
	[tilespmem:$0xA080] =	vst v63  }
0x184: {  	_ =	swait.ge [sflag:s7], $0x2000  }
0x185: {  	[sflag:s7] =	ssyncset.done $0x0  }
0x186: {  	[sflag:s7] =	ssyncadd.s32 $0xFFFFE000  }
0x187: {  	_ =	sfence.sel $0x180000  }
0x188: {  	[bflag:$0x0] =	sbarrier.arrive $0xFFFF  }
0x189: {  	_ =	strace $0x90000047  }
0x18a: {  	s0 =	stileid.u32;
	[bflag:$0x2] =	sbarrier.arrive $0xFFFF  }
0x18b: {  	p0 =	sne.s32 s0, $0x0;
	s0 =	rddreg [dreg:$0x2]  }
0x18c: {  	s0 =	sadd.s32 @!p0 $0x100000, s0  }
0x18d: {  	[sflag:s0] =	ssyncadd.tile.s32 @!p0 $0x1;
	_ =	shalt  }
.Lfunc_end2:
_tile_overlayer_lowered:
.L_overlay_start_2:
0x18e: {  	(tag) =	ssettag $0x2  }
0x18f: {  	s0 =	rddreg [dreg:$0x0];
	s2 =	stileid.u32  }
0x190: {  	s1 =	rddreg [dreg:$0x1];
	p0 =	sne.s32 s2, $0x0  }
0x191: {  	s3 =	rddreg [dreg:$0x2];
	[bflag:$0x3] =	sbarrier.arrive $0xFFFF;
	s2 =	simm.s32 @!p0 $0x1C02  }
0x192: {  	[timem:s3], [sflag:s2] =	dma.local @!p0 [hbm:s0], s1  }
0x193: {  	s0 =	simm.s32 @!p0 $0x2  }
0x194: {  	_ =	swait.ge @!p0 [sflag:s0], s1  }
0x195: {  	s1 =	ssub.s32 @!p0 $0x0, s1;
	[sflag:s0] =	ssyncset.done @!p0 $0x0  }
0x196: {  	[sflag:s0] =	ssyncadd.s32 @!p0 s1  }
0x197: {  	[bflag:$0x3] =	sbarrier.arrive $0xFFFF  }
0x198: {  	_ =	shalt  }

</sc_bundles>
